<compile_context>
chip_gen: v7x
topology: tpu7x:2x2x1
jax: 0.10.2.dev20260603
libtpu: 0.0.44.dev20260713+nightly
codegen_flags: <defaults>
</compile_context>

<pallas_src>
import jax
import jax.numpy as jnp
from jax import lax
from jax.experimental import pallas as pl
from jax.experimental.pallas import tpu as pltpu
from jax.experimental.pallas import tpu_sc as plsc


def _ring_copy(src_hbm, dst_hbm, base, rows, ch, scratch):
    nb = len(scratch) // 3
    bufs = scratch[:nb]
    in_sems = scratch[nb:2 * nb]
    out_sems = scratch[2 * nb:]
    nch = rows // ch
    in_copies = [None] * nb
    out_copies = [None] * nb

    for c in range(min(nb, nch)):
        in_copies[c] = pltpu.async_copy(
            src_hbm.at[pl.ds(base + c * ch, ch)], bufs[c], in_sems[c])
    for c in range(nch):
        b = c % nb
        in_copies[b].wait()
        out_copies[b] = pltpu.async_copy(
            bufs[b], dst_hbm.at[pl.ds(base + c * ch, ch)], out_sems[b])
        nxt = c + nb
        if nxt < nch:
            out_copies[b].wait()
            in_copies[b] = pltpu.async_copy(
                src_hbm.at[pl.ds(base + nxt * ch, ch)], bufs[b], in_sems[b])
    for b in range(nb):
        if out_copies[b] is not None:
            out_copies[b].wait()


def kernel(x, pe):
    S, D = pe.shape
    info = plsc.get_sparse_core_info()
    nc, ns = info.num_cores, info.num_subcores
    nw = nc * ns

    TEC_ROWS = 4608
    SCS_ROWS = S - TEC_ROWS

    CH_T = 16
    NB_T = 3
    rows_t = TEC_ROWS // nw

    CH_S = 256
    NB_S = 4
    rows_s = SCS_ROWS // nc
    vmesh = plsc.VectorSubcoreMesh(core_axis_name="c", subcore_axis_name="s")
    smesh = plsc.ScalarSubcoreMesh(axis_name="c", num_cores=nc)

    def tec_fn(pe_hbm, out_hbm, *spmem_bufs):
        del spmem_bufs

        def inner(*scratch):
            wid = lax.axis_index("s") * nc + lax.axis_index("c")
            _ring_copy(pe_hbm, out_hbm, wid * rows_t, rows_t, CH_T, scratch)

        pl.run_scoped(
            inner,
            *([pltpu.VMEM((CH_T, D), jnp.float32)] * NB_T
              + [pltpu.SemaphoreType.DMA] * (2 * NB_T)))

    def scs_fn(pe_hbm, out_hbm, *spmem_bufs):
        def inner(*sems):
            base = TEC_ROWS + lax.axis_index("c") * rows_s
            _ring_copy(pe_hbm, out_hbm, base, rows_s, CH_S,
                       list(spmem_bufs) + list(sems))

        pl.run_scoped(inner, *([pltpu.SemaphoreType.DMA] * (2 * NB_S)))

    sc_copy = pl.kernel(
        body=[tec_fn, scs_fn],
        mesh=[vmesh, smesh],
        out_type=jax.ShapeDtypeStruct((S, D), pe.dtype),
        scratch_types=[pltpu.VMEM_SHARED((CH_S, D), jnp.float32)] * NB_S,
    )
    return sc_copy(pe)[None, :, :]

# --- scband reference (transcript-rebuilt; emitter-appended) ---
"""Pipeline reference for scband-learned-pos-encoding-4973572129093 (READ-ONLY COPY).

The authoritative reference and input builder live on the scoring server;
editing this copy changes nothing except your own understanding.
"""

import jax, jax.numpy as jnp
import numpy as np

def setup_inputs(seed: int = 0) -> dict:
    key = jax.random.key(seed)
    k1, k2 = jax.random.split(key)
    x = jax.random.normal(k1, (4, 8192, 1024), dtype=jnp.float32)
    # learned positional embedding table: [context_window, hidden_dim]
    pe = jax.random.normal(k2, (8192, 1024), dtype=jnp.float32) * 0.02
    return {"x": x, "pe": pe}

def reference(x, pe):
    # Faithful translation of LearnedPosEncoding.forward
    S = x.shape[1]
    idx = jnp.arange(S)
    out = jnp.take(pe, idx, axis=0)  # embedding lookup -> [S, hidden_dim]
    if x.ndim >= 2:
        return out[None, :, :]  # unsqueeze(0) -> [1, S, hidden_dim]
    return out

if __name__ == "__main__":
    import jax
    _d = setup_inputs()
    print(jax.jit(kernel)(*tuple(_d.values())))

</pallas_src>

<mosaic_0001>
#map = affine_map<(d0, d1) -> (0, 0)>
#map1 = affine_map<(d0) -> (0, 0)>
module attributes {stable_mosaic.version = 14 : i64} {
  func.func @tec_fn(%arg0: i32, %arg1: i32, %arg2: memref<8192x1024xf32, #tpu.memory_space<hbm>>, %arg3: memref<8192x1024xf32, #tpu.memory_space<hbm>>, %arg4: memref<256x1024xf32, #tpu.memory_space<vmem_shared>>, %arg5: memref<256x1024xf32, #tpu.memory_space<vmem_shared>>, %arg6: memref<256x1024xf32, #tpu.memory_space<vmem_shared>>, %arg7: memref<256x1024xf32, #tpu.memory_space<vmem_shared>>) attributes {dimension_semantics = [#tpu.dimension_semantics<core_parallel>, #tpu.dimension_semantics<subcore_parallel>], iteration_bounds = array<i64: 2, 16>, scalar_prefetch = 0 : i64, scratch_operands = 4 : i64, tpu.core_type = #tpu.core_type<sc_vector_subcore>, window_params = [{transform_indices = #map}, {transform_indices = #map}]} {
    "tpu.region"() ({
      %run_scoped3A = memref.alloca() : memref<16x1024xf32, #tpu.memory_space<vmem>>
      %run_scoped3A_0 = memref.alloca() : memref<16x1024xf32, #tpu.memory_space<vmem>>
      %run_scoped3A_1 = memref.alloca() : memref<16x1024xf32, #tpu.memory_space<vmem>>
      %run_scoped3A_2 = tpu.sem_alloc : memref<!tpu.dma_semaphore, #tpu.memory_space<semaphore_mem>>
      %run_scoped3A_3 = tpu.sem_alloc : memref<!tpu.dma_semaphore, #tpu.memory_space<semaphore_mem>>
      %run_scoped3A_4 = tpu.sem_alloc : memref<!tpu.dma_semaphore, #tpu.memory_space<semaphore_mem>>
      %run_scoped3A_5 = tpu.sem_alloc : memref<!tpu.dma_semaphore, #tpu.memory_space<semaphore_mem>>
      %run_scoped3A_6 = tpu.sem_alloc : memref<!tpu.dma_semaphore, #tpu.memory_space<semaphore_mem>>
      %run_scoped3A_7 = tpu.sem_alloc : memref<!tpu.dma_semaphore, #tpu.memory_space<semaphore_mem>>
      %mul3A = arith.constant 2 : i32
      %mul3A_8 = arith.muli %arg1, %mul3A : i32
      %add3A = arith.addi %mul3A_8, %arg0 : i32
      %mul3A_9 = arith.constant 144 : i32
      %mul3A_10 = arith.muli %add3A, %mul3A_9 : i32
      %add3A_11 = arith.constant 0 : i32
      %add3A_12 = arith.addi %mul3A_10, %add3A_11 : i32
      %dma_start3A = arith.constant 0 : i32
      %dma_start3A_13 = tpu.memref_slice %arg2[%add3A_12, %dma_start3A] : memref<8192x1024xf32, #tpu.memory_space<hbm>> -> memref<16x1024xf32, #tpu.memory_space<hbm>>
      %dma_start3A_14 = arith.constant 0 : i32
      %dma_start3A_15 = tpu.memref_slice %arg2[%add3A_12, %dma_start3A_14] : memref<8192x1024xf32, #tpu.memory_space<hbm>> -> memref<16x1024xf32, #tpu.memory_space<hbm>>
      tpu.enqueue_dma source(%dma_start3A_15 : memref<16x1024xf32, #tpu.memory_space<hbm>>) target(%run_scoped3A : memref<16x1024xf32, #tpu.memory_space<vmem>>) target_semaphore(%run_scoped3A_2 : memref<!tpu.dma_semaphore, #tpu.memory_space<semaphore_mem>>)
      %add3A_16 = arith.constant 16 : i32
      %add3A_17 = arith.addi %mul3A_10, %add3A_16 : i32
      %dma_start3A_18 = arith.constant 0 : i32
      %dma_start3A_19 = tpu.memref_slice %arg2[%add3A_17, %dma_start3A_18] : memref<8192x1024xf32, #tpu.memory_space<hbm>> -> memref<16x1024xf32, #tpu.memory_space<hbm>>
      %dma_start3A_20 = arith.constant 0 : i32
      %dma_start3A_21 = tpu.memref_slice %arg2[%add3A_17, %dma_start3A_20] : memref<8192x1024xf32, #tpu.memory_space<hbm>> -> memref<16x1024xf32, #tpu.memory_space<hbm>>
      tpu.enqueue_dma source(%dma_start3A_21 : memref<16x1024xf32, #tpu.memory_space<hbm>>) target(%run_scoped3A_0 : memref<16x1024xf32, #tpu.memory_space<vmem>>) target_semaphore(%run_scoped3A_3 : memref<!tpu.dma_semaphore, #tpu.memory_space<semaphore_mem>>)
      %add3A_22 = arith.constant 32 : i32
      %add3A_23 = arith.addi %mul3A_10, %add3A_22 : i32
      %dma_start3A_24 = arith.constant 0 : i32
      %dma_start3A_25 = tpu.memref_slice %arg2[%add3A_23, %dma_start3A_24] : memref<8192x1024xf32, #tpu.memory_space<hbm>> -> memref<16x1024xf32, #tpu.memory_space<hbm>>
      %dma_start3A_26 = arith.constant 0 : i32
      %dma_start3A_27 = tpu.memref_slice %arg2[%add3A_23, %dma_start3A_26] : memref<8192x1024xf32, #tpu.memory_space<hbm>> -> memref<16x1024xf32, #tpu.memory_space<hbm>>
      tpu.enqueue_dma source(%dma_start3A_27 : memref<16x1024xf32, #tpu.memory_space<hbm>>) target(%run_scoped3A_1 : memref<16x1024xf32, #tpu.memory_space<vmem>>) target_semaphore(%run_scoped3A_4 : memref<!tpu.dma_semaphore, #tpu.memory_space<semaphore_mem>>)
      %dma_wait3A = arith.constant 0 : i32
      %dma_wait3A_28 = tpu.memref_slice %arg2[%add3A_12, %dma_wait3A] : memref<8192x1024xf32, #tpu.memory_space<hbm>> -> memref<16x1024xf32, #tpu.memory_space<hbm>>
      %dma_wait3A_29 = arith.constant 0 : i32
      %dma_wait3A_30 = tpu.memref_slice %arg2[%add3A_12, %dma_wait3A_29] : memref<8192x1024xf32, #tpu.memory_space<hbm>> -> memref<16x1024xf32, #tpu.memory_space<hbm>>
      tpu.wait_dma2 semaphore(%run_scoped3A_2 : memref<!tpu.dma_semaphore, #tpu.memory_space<semaphore_mem>>) src(%dma_wait3A_30 : memref<16x1024xf32, #tpu.memory_space<hbm>>) dst(%run_scoped3A : memref<16x1024xf32, #tpu.memory_space<vmem>>)
      %add3A_31 = arith.constant 0 : i32
      %add3A_32 = arith.addi %mul3A_10, %add3A_31 : i32
      %dma_start3A_33 = arith.constant 0 : i32
      %dma_start3A_34 = tpu.memref_slice %arg3[%add3A_32, %dma_start3A_33] : memref<8192x1024xf32, #tpu.memory_space<hbm>> -> memref<16x1024xf32, #tpu.memory_space<hbm>>
      %dma_start3A_35 = arith.constant 0 : i32
      %dma_start3A_36 = tpu.memref_slice %arg3[%add3A_32, %dma_start3A_35] : memref<8192x1024xf32, #tpu.memory_space<hbm>> -> memref<16x1024xf32, #tpu.memory_space<hbm>>
      tpu.enqueue_dma source(%run_scoped3A : memref<16x1024xf32, #tpu.memory_space<vmem>>) target(%dma_start3A_36 : memref<16x1024xf32, #tpu.memory_space<hbm>>) target_semaphore(%run_scoped3A_5 : memref<!tpu.dma_semaphore, #tpu.memory_space<semaphore_mem>>)
      %dma_wait3A_37 = arith.constant 0 : i32
      %dma_wait3A_38 = tpu.memref_slice %arg3[%add3A_32, %dma_wait3A_37] : memref<8192x1024xf32, #tpu.memory_space<hbm>> -> memref<16x1024xf32, #tpu.memory_space<hbm>>
      %dma_wait3A_39 = arith.constant 0 : i32
      %dma_wait3A_40 = tpu.memref_slice %arg3[%add3A_32, %dma_wait3A_39] : memref<8192x1024xf32, #tpu.memory_space<hbm>> -> memref<16x1024xf32, #tpu.memory_space<hbm>>
      tpu.wait_dma2 semaphore(%run_scoped3A_5 : memref<!tpu.dma_semaphore, #tpu.memory_space<semaphore_mem>>) src(%run_scoped3A : memref<16x1024xf32, #tpu.memory_space<vmem>>) dst(%dma_wait3A_40 : memref<16x1024xf32, #tpu.memory_space<hbm>>)
      %add3A_41 = arith.constant 48 : i32
      %add3A_42 = arith.addi %mul3A_10, %add3A_41 : i32
      %dma_start3A_43 = arith.constant 0 : i32
      %dma_start3A_44 = tpu.memref_slice %arg2[%add3A_42, %dma_start3A_43] : memref<8192x1024xf32, #tpu.memory_space<hbm>> -> memref<16x1024xf32, #tpu.memory_space<hbm>>
      %dma_start3A_45 = arith.constant 0 : i32
      %dma_start3A_46 = tpu.memref_slice %arg2[%add3A_42, %dma_start3A_45] : memref<8192x1024xf32, #tpu.memory_space<hbm>> -> memref<16x1024xf32, #tpu.memory_space<hbm>>
      tpu.enqueue_dma source(%dma_start3A_46 : memref<16x1024xf32, #tpu.memory_space<hbm>>) target(%run_scoped3A : memref<16x1024xf32, #tpu.memory_space<vmem>>) target_semaphore(%run_scoped3A_2 : memref<!tpu.dma_semaphore, #tpu.memory_space<semaphore_mem>>)
      %dma_wait3A_47 = arith.constant 0 : i32
      %dma_wait3A_48 = tpu.memref_slice %arg2[%add3A_17, %dma_wait3A_47] : memref<8192x1024xf32, #tpu.memory_space<hbm>> -> memref<16x1024xf32, #tpu.memory_space<hbm>>
      %dma_wait3A_49 = arith.constant 0 : i32
      %dma_wait3A_50 = tpu.memref_slice %arg2[%add3A_17, %dma_wait3A_49] : memref<8192x1024xf32, #tpu.memory_space<hbm>> -> memref<16x1024xf32, #tpu.memory_space<hbm>>
      tpu.wait_dma2 semaphore(%run_scoped3A_3 : memref<!tpu.dma_semaphore, #tpu.memory_space<semaphore_mem>>) src(%dma_wait3A_50 : memref<16x1024xf32, #tpu.memory_space<hbm>>) dst(%run_scoped3A_0 : memref<16x1024xf32, #tpu.memory_space<vmem>>)
      %add3A_51 = arith.constant 16 : i32
      %add3A_52 = arith.addi %mul3A_10, %add3A_51 : i32
      %dma_start3A_53 = arith.constant 0 : i32
      %dma_start3A_54 = tpu.memref_slice %arg3[%add3A_52, %dma_start3A_53] : memref<8192x1024xf32, #tpu.memory_space<hbm>> -> memref<16x1024xf32, #tpu.memory_space<hbm>>
      %dma_start3A_55 = arith.constant 0 : i32
      %dma_start3A_56 = tpu.memref_slice %arg3[%add3A_52, %dma_start3A_55] : memref<8192x1024xf32, #tpu.memory_space<hbm>> -> memref<16x1024xf32, #tpu.memory_space<hbm>>
      tpu.enqueue_dma source(%run_scoped3A_0 : memref<16x1024xf32, #tpu.memory_space<vmem>>) target(%dma_start3A_56 : memref<16x1024xf32, #tpu.memory_space<hbm>>) target_semaphore(%run_scoped3A_6 : memref<!tpu.dma_semaphore, #tpu.memory_space<semaphore_mem>>)
      %dma_wait3A_57 = arith.constant 0 : i32
      %dma_wait3A_58 = tpu.memref_slice %arg3[%add3A_52, %dma_wait3A_57] : memref<8192x1024xf32, #tpu.memory_space<hbm>> -> memref<16x1024xf32, #tpu.memory_space<hbm>>
      %dma_wait3A_59 = arith.constant 0 : i32
      %dma_wait3A_60 = tpu.memref_slice %arg3[%add3A_52, %dma_wait3A_59] : memref<8192x1024xf32, #tpu.memory_space<hbm>> -> memref<16x1024xf32, #tpu.memory_space<hbm>>
      tpu.wait_dma2 semaphore(%run_scoped3A_6 : memref<!tpu.dma_semaphore, #tpu.memory_space<semaphore_mem>>) src(%run_scoped3A_0 : memref<16x1024xf32, #tpu.memory_space<vmem>>) dst(%dma_wait3A_60 : memref<16x1024xf32, #tpu.memory_space<hbm>>)
      %add3A_61 = arith.constant 64 : i32
      %add3A_62 = arith.addi %mul3A_10, %add3A_61 : i32
      %dma_start3A_63 = arith.constant 0 : i32
      %dma_start3A_64 = tpu.memref_slice %arg2[%add3A_62, %dma_start3A_63] : memref<8192x1024xf32, #tpu.memory_space<hbm>> -> memref<16x1024xf32, #tpu.memory_space<hbm>>
      %dma_start3A_65 = arith.constant 0 : i32
      %dma_start3A_66 = tpu.memref_slice %arg2[%add3A_62, %dma_start3A_65] : memref<8192x1024xf32, #tpu.memory_space<hbm>> -> memref<16x1024xf32, #tpu.memory_space<hbm>>
      tpu.enqueue_dma source(%dma_start3A_66 : memref<16x1024xf32, #tpu.memory_space<hbm>>) target(%run_scoped3A_0 : memref<16x1024xf32, #tpu.memory_space<vmem>>) target_semaphore(%run_scoped3A_3 : memref<!tpu.dma_semaphore, #tpu.memory_space<semaphore_mem>>)
      %dma_wait3A_67 = arith.constant 0 : i32
      %dma_wait3A_68 = tpu.memref_slice %arg2[%add3A_23, %dma_wait3A_67] : memref<8192x1024xf32, #tpu.memory_space<hbm>> -> memref<16x1024xf32, #tpu.memory_space<hbm>>
      %dma_wait3A_69 = arith.constant 0 : i32
      %dma_wait3A_70 = tpu.memref_slice %arg2[%add3A_23, %dma_wait3A_69] : memref<8192x1024xf32, #tpu.memory_space<hbm>> -> memref<16x1024xf32, #tpu.memory_space<hbm>>
      tpu.wait_dma2 semaphore(%run_scoped3A_4 : memref<!tpu.dma_semaphore, #tpu.memory_space<semaphore_mem>>) src(%dma_wait3A_70 : memref<16x1024xf32, #tpu.memory_space<hbm>>) dst(%run_scoped3A_1 : memref<16x1024xf32, #tpu.memory_space<vmem>>)
      %add3A_71 = arith.constant 32 : i32
      %add3A_72 = arith.addi %mul3A_10, %add3A_71 : i32
      %dma_start3A_73 = arith.constant 0 : i32
      %dma_start3A_74 = tpu.memref_slice %arg3[%add3A_72, %dma_start3A_73] : memref<8192x1024xf32, #tpu.memory_space<hbm>> -> memref<16x1024xf32, #tpu.memory_space<hbm>>
      %dma_start3A_75 = arith.constant 0 : i32
      %dma_start3A_76 = tpu.memref_slice %arg3[%add3A_72, %dma_start3A_75] : memref<8192x1024xf32, #tpu.memory_space<hbm>> -> memref<16x1024xf32, #tpu.memory_space<hbm>>
      tpu.enqueue_dma source(%run_scoped3A_1 : memref<16x1024xf32, #tpu.memory_space<vmem>>) target(%dma_start3A_76 : memref<16x1024xf32, #tpu.memory_space<hbm>>) target_semaphore(%run_scoped3A_7 : memref<!tpu.dma_semaphore, #tpu.memory_space<semaphore_mem>>)
      %dma_wait3A_77 = arith.constant 0 : i32
      %dma_wait3A_78 = tpu.memref_slice %arg3[%add3A_72, %dma_wait3A_77] : memref<8192x1024xf32, #tpu.memory_space<hbm>> -> memref<16x1024xf32, #tpu.memory_space<hbm>>
      %dma_wait3A_79 = arith.constant 0 : i32
      %dma_wait3A_80 = tpu.memref_slice %arg3[%add3A_72, %dma_wait3A_79] : memref<8192x1024xf32, #tpu.memory_space<hbm>> -> memref<16x1024xf32, #tpu.memory_space<hbm>>
      tpu.wait_dma2 semaphore(%run_scoped3A_7 : memref<!tpu.dma_semaphore, #tpu.memory_space<semaphore_mem>>) src(%run_scoped3A_1 : memref<16x1024xf32, #tpu.memory_space<vmem>>) dst(%dma_wait3A_80 : memref<16x1024xf32, #tpu.memory_space<hbm>>)
      %add3A_81 = arith.constant 80 : i32
      %add3A_82 = arith.addi %mul3A_10, %add3A_81 : i32
      %dma_start3A_83 = arith.constant 0 : i32
      %dma_start3A_84 = tpu.memref_slice %arg2[%add3A_82, %dma_start3A_83] : memref<8192x1024xf32, #tpu.memory_space<hbm>> -> memref<16x1024xf32, #tpu.memory_space<hbm>>
      %dma_start3A_85 = arith.constant 0 : i32
      %dma_start3A_86 = tpu.memref_slice %arg2[%add3A_82, %dma_start3A_85] : memref<8192x1024xf32, #tpu.memory_space<hbm>> -> memref<16x1024xf32, #tpu.memory_space<hbm>>
      tpu.enqueue_dma source(%dma_start3A_86 : memref<16x1024xf32, #tpu.memory_space<hbm>>) target(%run_scoped3A_1 : memref<16x1024xf32, #tpu.memory_space<vmem>>) target_semaphore(%run_scoped3A_4 : memref<!tpu.dma_semaphore, #tpu.memory_space<semaphore_mem>>)
      %dma_wait3A_87 = arith.constant 0 : i32
      %dma_wait3A_88 = tpu.memref_slice %arg2[%add3A_42, %dma_wait3A_87] : memref<8192x1024xf32, #tpu.memory_space<hbm>> -> memref<16x1024xf32, #tpu.memory_space<hbm>>
      %dma_wait3A_89 = arith.constant 0 : i32
      %dma_wait3A_90 = tpu.memref_slice %arg2[%add3A_42, %dma_wait3A_89] : memref<8192x1024xf32, #tpu.memory_space<hbm>> -> memref<16x1024xf32, #tpu.memory_space<hbm>>
      tpu.wait_dma2 semaphore(%run_scoped3A_2 : memref<!tpu.dma_semaphore, #tpu.memory_space<semaphore_mem>>) src(%dma_wait3A_90 : memref<16x1024xf32, #tpu.memory_space<hbm>>) dst(%run_scoped3A : memref<16x1024xf32, #tpu.memory_space<vmem>>)
      %add3A_91 = arith.constant 48 : i32
      %add3A_92 = arith.addi %mul3A_10, %add3A_91 : i32
      %dma_start3A_93 = arith.constant 0 : i32
      %dma_start3A_94 = tpu.memref_slice %arg3[%add3A_92, %dma_start3A_93] : memref<8192x1024xf32, #tpu.memory_space<hbm>> -> memref<16x1024xf32, #tpu.memory_space<hbm>>
      %dma_start3A_95 = arith.constant 0 : i32
      %dma_start3A_96 = tpu.memref_slice %arg3[%add3A_92, %dma_start3A_95] : memref<8192x1024xf32, #tpu.memory_space<hbm>> -> memref<16x1024xf32, #tpu.memory_space<hbm>>
      tpu.enqueue_dma source(%run_scoped3A : memref<16x1024xf32, #tpu.memory_space<vmem>>) target(%dma_start3A_96 : memref<16x1024xf32, #tpu.memory_space<hbm>>) target_semaphore(%run_scoped3A_5 : memref<!tpu.dma_semaphore, #tpu.memory_space<semaphore_mem>>)
      %dma_wait3A_97 = arith.constant 0 : i32
      %dma_wait3A_98 = tpu.memref_slice %arg3[%add3A_92, %dma_wait3A_97] : memref<8192x1024xf32, #tpu.memory_space<hbm>> -> memref<16x1024xf32, #tpu.memory_space<hbm>>
      %dma_wait3A_99 = arith.constant 0 : i32
      %dma_wait3A_100 = tpu.memref_slice %arg3[%add3A_92, %dma_wait3A_99] : memref<8192x1024xf32, #tpu.memory_space<hbm>> -> memref<16x1024xf32, #tpu.memory_space<hbm>>
      tpu.wait_dma2 semaphore(%run_scoped3A_5 : memref<!tpu.dma_semaphore, #tpu.memory_space<semaphore_mem>>) src(%run_scoped3A : memref<16x1024xf32, #tpu.memory_space<vmem>>) dst(%dma_wait3A_100 : memref<16x1024xf32, #tpu.memory_space<hbm>>)
      %add3A_101 = arith.constant 96 : i32
      %add3A_102 = arith.addi %mul3A_10, %add3A_101 : i32
      %dma_start3A_103 = arith.constant 0 : i32
      %dma_start3A_104 = tpu.memref_slice %arg2[%add3A_102, %dma_start3A_103] : memref<8192x1024xf32, #tpu.memory_space<hbm>> -> memref<16x1024xf32, #tpu.memory_space<hbm>>
      %dma_start3A_105 = arith.constant 0 : i32
      %dma_start3A_106 = tpu.memref_slice %arg2[%add3A_102, %dma_start3A_105] : memref<8192x1024xf32, #tpu.memory_space<hbm>> -> memref<16x1024xf32, #tpu.memory_space<hbm>>
      tpu.enqueue_dma source(%dma_start3A_106 : memref<16x1024xf32, #tpu.memory_space<hbm>>) target(%run_scoped3A : memref<16x1024xf32, #tpu.memory_space<vmem>>) target_semaphore(%run_scoped3A_2 : memref<!tpu.dma_semaphore, #tpu.memory_space<semaphore_mem>>)
      %dma_wait3A_107 = arith.constant 0 : i32
      %dma_wait3A_108 = tpu.memref_slice %arg2[%add3A_62, %dma_wait3A_107] : memref<8192x1024xf32, #tpu.memory_space<hbm>> -> memref<16x1024xf32, #tpu.memory_space<hbm>>
      %dma_wait3A_109 = arith.constant 0 : i32
      %dma_wait3A_110 = tpu.memref_slice %arg2[%add3A_62, %dma_wait3A_109] : memref<8192x1024xf32, #tpu.memory_space<hbm>> -> memref<16x1024xf32, #tpu.memory_space<hbm>>
      tpu.wait_dma2 semaphore(%run_scoped3A_3 : memref<!tpu.dma_semaphore, #tpu.memory_space<semaphore_mem>>) src(%dma_wait3A_110 : memref<16x1024xf32, #tpu.memory_space<hbm>>) dst(%run_scoped3A_0 : memref<16x1024xf32, #tpu.memory_space<vmem>>)
      %add3A_111 = arith.constant 64 : i32
      %add3A_112 = arith.addi %mul3A_10, %add3A_111 : i32
      %dma_start3A_113 = arith.constant 0 : i32
      %dma_start3A_114 = tpu.memref_slice %arg3[%add3A_112, %dma_start3A_113] : memref<8192x1024xf32, #tpu.memory_space<hbm>> -> memref<16x1024xf32, #tpu.memory_space<hbm>>
      %dma_start3A_115 = arith.constant 0 : i32
      %dma_start3A_116 = tpu.memref_slice %arg3[%add3A_112, %dma_start3A_115] : memref<8192x1024xf32, #tpu.memory_space<hbm>> -> memref<16x1024xf32, #tpu.memory_space<hbm>>
      tpu.enqueue_dma source(%run_scoped3A_0 : memref<16x1024xf32, #tpu.memory_space<vmem>>) target(%dma_start3A_116 : memref<16x1024xf32, #tpu.memory_space<hbm>>) target_semaphore(%run_scoped3A_6 : memref<!tpu.dma_semaphore, #tpu.memory_space<semaphore_mem>>)
      %dma_wait3A_117 = arith.constant 0 : i32
      %dma_wait3A_118 = tpu.memref_slice %arg3[%add3A_112, %dma_wait3A_117] : memref<8192x1024xf32, #tpu.memory_space<hbm>> -> memref<16x1024xf32, #tpu.memory_space<hbm>>
      %dma_wait3A_119 = arith.constant 0 : i32
      %dma_wait3A_120 = tpu.memref_slice %arg3[%add3A_112, %dma_wait3A_119] : memref<8192x1024xf32, #tpu.memory_space<hbm>> -> memref<16x1024xf32, #tpu.memory_space<hbm>>
      tpu.wait_dma2 semaphore(%run_scoped3A_6 : memref<!tpu.dma_semaphore, #tpu.memory_space<semaphore_mem>>) src(%run_scoped3A_0 : memref<16x1024xf32, #tpu.memory_space<vmem>>) dst(%dma_wait3A_120 : memref<16x1024xf32, #tpu.memory_space<hbm>>)
      %add3A_121 = arith.constant 112 : i32
      %add3A_122 = arith.addi %mul3A_10, %add3A_121 : i32
      %dma_start3A_123 = arith.constant 0 : i32
      %dma_start3A_124 = tpu.memref_slice %arg2[%add3A_122, %dma_start3A_123] : memref<8192x1024xf32, #tpu.memory_space<hbm>> -> memref<16x1024xf32, #tpu.memory_space<hbm>>
      %dma_start3A_125 = arith.constant 0 : i32
      %dma_start3A_126 = tpu.memref_slice %arg2[%add3A_122, %dma_start3A_125] : memref<8192x1024xf32, #tpu.memory_space<hbm>> -> memref<16x1024xf32, #tpu.memory_space<hbm>>
      tpu.enqueue_dma source(%dma_start3A_126 : memref<16x1024xf32, #tpu.memory_space<hbm>>) target(%run_scoped3A_0 : memref<16x1024xf32, #tpu.memory_space<vmem>>) target_semaphore(%run_scoped3A_3 : memref<!tpu.dma_semaphore, #tpu.memory_space<semaphore_mem>>)
      %dma_wait3A_127 = arith.constant 0 : i32
      %dma_wait3A_128 = tpu.memref_slice %arg2[%add3A_82, %dma_wait3A_127] : memref<8192x1024xf32, #tpu.memory_space<hbm>> -> memref<16x1024xf32, #tpu.memory_space<hbm>>
      %dma_wait3A_129 = arith.constant 0 : i32
      %dma_wait3A_130 = tpu.memref_slice %arg2[%add3A_82, %dma_wait3A_129] : memref<8192x1024xf32, #tpu.memory_space<hbm>> -> memref<16x1024xf32, #tpu.memory_space<hbm>>
      tpu.wait_dma2 semaphore(%run_scoped3A_4 : memref<!tpu.dma_semaphore, #tpu.memory_space<semaphore_mem>>) src(%dma_wait3A_130 : memref<16x1024xf32, #tpu.memory_space<hbm>>) dst(%run_scoped3A_1 : memref<16x1024xf32, #tpu.memory_space<vmem>>)
      %add3A_131 = arith.constant 80 : i32
      %add3A_132 = arith.addi %mul3A_10, %add3A_131 : i32
      %dma_start3A_133 = arith.constant 0 : i32
      %dma_start3A_134 = tpu.memref_slice %arg3[%add3A_132, %dma_start3A_133] : memref<8192x1024xf32, #tpu.memory_space<hbm>> -> memref<16x1024xf32, #tpu.memory_space<hbm>>
      %dma_start3A_135 = arith.constant 0 : i32
      %dma_start3A_136 = tpu.memref_slice %arg3[%add3A_132, %dma_start3A_135] : memref<8192x1024xf32, #tpu.memory_space<hbm>> -> memref<16x1024xf32, #tpu.memory_space<hbm>>
      tpu.enqueue_dma source(%run_scoped3A_1 : memref<16x1024xf32, #tpu.memory_space<vmem>>) target(%dma_start3A_136 : memref<16x1024xf32, #tpu.memory_space<hbm>>) target_semaphore(%run_scoped3A_7 : memref<!tpu.dma_semaphore, #tpu.memory_space<semaphore_mem>>)
      %dma_wait3A_137 = arith.constant 0 : i32
      %dma_wait3A_138 = tpu.memref_slice %arg3[%add3A_132, %dma_wait3A_137] : memref<8192x1024xf32, #tpu.memory_space<hbm>> -> memref<16x1024xf32, #tpu.memory_space<hbm>>
      %dma_wait3A_139 = arith.constant 0 : i32
      %dma_wait3A_140 = tpu.memref_slice %arg3[%add3A_132, %dma_wait3A_139] : memref<8192x1024xf32, #tpu.memory_space<hbm>> -> memref<16x1024xf32, #tpu.memory_space<hbm>>
      tpu.wait_dma2 semaphore(%run_scoped3A_7 : memref<!tpu.dma_semaphore, #tpu.memory_space<semaphore_mem>>) src(%run_scoped3A_1 : memref<16x1024xf32, #tpu.memory_space<vmem>>) dst(%dma_wait3A_140 : memref<16x1024xf32, #tpu.memory_space<hbm>>)
      %add3A_141 = arith.constant 128 : i32
      %add3A_142 = arith.addi %mul3A_10, %add3A_141 : i32
      %dma_start3A_143 = arith.constant 0 : i32
      %dma_start3A_144 = tpu.memref_slice %arg2[%add3A_142, %dma_start3A_143] : memref<8192x1024xf32, #tpu.memory_space<hbm>> -> memref<16x1024xf32, #tpu.memory_space<hbm>>
      %dma_start3A_145 = arith.constant 0 : i32
      %dma_start3A_146 = tpu.memref_slice %arg2[%add3A_142, %dma_start3A_145] : memref<8192x1024xf32, #tpu.memory_space<hbm>> -> memref<16x1024xf32, #tpu.memory_space<hbm>>
      tpu.enqueue_dma source(%dma_start3A_146 : memref<16x1024xf32, #tpu.memory_space<hbm>>) target(%run_scoped3A_1 : memref<16x1024xf32, #tpu.memory_space<vmem>>) target_semaphore(%run_scoped3A_4 : memref<!tpu.dma_semaphore, #tpu.memory_space<semaphore_mem>>)
      %dma_wait3A_147 = arith.constant 0 : i32
      %dma_wait3A_148 = tpu.memref_slice %arg2[%add3A_102, %dma_wait3A_147] : memref<8192x1024xf32, #tpu.memory_space<hbm>> -> memref<16x1024xf32, #tpu.memory_space<hbm>>
      %dma_wait3A_149 = arith.constant 0 : i32
      %dma_wait3A_150 = tpu.memref_slice %arg2[%add3A_102, %dma_wait3A_149] : memref<8192x1024xf32, #tpu.memory_space<hbm>> -> memref<16x1024xf32, #tpu.memory_space<hbm>>
      tpu.wait_dma2 semaphore(%run_scoped3A_2 : memref<!tpu.dma_semaphore, #tpu.memory_space<semaphore_mem>>) src(%dma_wait3A_150 : memref<16x1024xf32, #tpu.memory_space<hbm>>) dst(%run_scoped3A : memref<16x1024xf32, #tpu.memory_space<vmem>>)
      %add3A_151 = arith.constant 96 : i32
      %add3A_152 = arith.addi %mul3A_10, %add3A_151 : i32
      %dma_start3A_153 = arith.constant 0 : i32
      %dma_start3A_154 = tpu.memref_slice %arg3[%add3A_152, %dma_start3A_153] : memref<8192x1024xf32, #tpu.memory_space<hbm>> -> memref<16x1024xf32, #tpu.memory_space<hbm>>
      %dma_start3A_155 = arith.constant 0 : i32
      %dma_start3A_156 = tpu.memref_slice %arg3[%add3A_152, %dma_start3A_155] : memref<8192x1024xf32, #tpu.memory_space<hbm>> -> memref<16x1024xf32, #tpu.memory_space<hbm>>
      tpu.enqueue_dma source(%run_scoped3A : memref<16x1024xf32, #tpu.memory_space<vmem>>) target(%dma_start3A_156 : memref<16x1024xf32, #tpu.memory_space<hbm>>) target_semaphore(%run_scoped3A_5 : memref<!tpu.dma_semaphore, #tpu.memory_space<semaphore_mem>>)
      %dma_wait3A_157 = arith.constant 0 : i32
      %dma_wait3A_158 = tpu.memref_slice %arg2[%add3A_122, %dma_wait3A_157] : memref<8192x1024xf32, #tpu.memory_space<hbm>> -> memref<16x1024xf32, #tpu.memory_space<hbm>>
      %dma_wait3A_159 = arith.constant 0 : i32
      %dma_wait3A_160 = tpu.memref_slice %arg2[%add3A_122, %dma_wait3A_159] : memref<8192x1024xf32, #tpu.memory_space<hbm>> -> memref<16x1024xf32, #tpu.memory_space<hbm>>
      tpu.wait_dma2 semaphore(%run_scoped3A_3 : memref<!tpu.dma_semaphore, #tpu.memory_space<semaphore_mem>>) src(%dma_wait3A_160 : memref<16x1024xf32, #tpu.memory_space<hbm>>) dst(%run_scoped3A_0 : memref<16x1024xf32, #tpu.memory_space<vmem>>)
      %add3A_161 = arith.constant 112 : i32
      %add3A_162 = arith.addi %mul3A_10, %add3A_161 : i32
      %dma_start3A_163 = arith.constant 0 : i32
      %dma_start3A_164 = tpu.memref_slice %arg3[%add3A_162, %dma_start3A_163] : memref<8192x1024xf32, #tpu.memory_space<hbm>> -> memref<16x1024xf32, #tpu.memory_space<hbm>>
      %dma_start3A_165 = arith.constant 0 : i32
      %dma_start3A_166 = tpu.memref_slice %arg3[%add3A_162, %dma_start3A_165] : memref<8192x1024xf32, #tpu.memory_space<hbm>> -> memref<16x1024xf32, #tpu.memory_space<hbm>>
      tpu.enqueue_dma source(%run_scoped3A_0 : memref<16x1024xf32, #tpu.memory_space<vmem>>) target(%dma_start3A_166 : memref<16x1024xf32, #tpu.memory_space<hbm>>) target_semaphore(%run_scoped3A_6 : memref<!tpu.dma_semaphore, #tpu.memory_space<semaphore_mem>>)
      %dma_wait3A_167 = arith.constant 0 : i32
      %dma_wait3A_168 = tpu.memref_slice %arg2[%add3A_142, %dma_wait3A_167] : memref<8192x1024xf32, #tpu.memory_space<hbm>> -> memref<16x1024xf32, #tpu.memory_space<hbm>>
      %dma_wait3A_169 = arith.constant 0 : i32
      %dma_wait3A_170 = tpu.memref_slice %arg2[%add3A_142, %dma_wait3A_169] : memref<8192x1024xf32, #tpu.memory_space<hbm>> -> memref<16x1024xf32, #tpu.memory_space<hbm>>
      tpu.wait_dma2 semaphore(%run_scoped3A_4 : memref<!tpu.dma_semaphore, #tpu.memory_space<semaphore_mem>>) src(%dma_wait3A_170 : memref<16x1024xf32, #tpu.memory_space<hbm>>) dst(%run_scoped3A_1 : memref<16x1024xf32, #tpu.memory_space<vmem>>)
      %add3A_171 = arith.constant 128 : i32
      %add3A_172 = arith.addi %mul3A_10, %add3A_171 : i32
      %dma_start3A_173 = arith.constant 0 : i32
      %dma_start3A_174 = tpu.memref_slice %arg3[%add3A_172, %dma_start3A_173] : memref<8192x1024xf32, #tpu.memory_space<hbm>> -> memref<16x1024xf32, #tpu.memory_space<hbm>>
      %dma_start3A_175 = arith.constant 0 : i32
      %dma_start3A_176 = tpu.memref_slice %arg3[%add3A_172, %dma_start3A_175] : memref<8192x1024xf32, #tpu.memory_space<hbm>> -> memref<16x1024xf32, #tpu.memory_space<hbm>>
      tpu.enqueue_dma source(%run_scoped3A_1 : memref<16x1024xf32, #tpu.memory_space<vmem>>) target(%dma_start3A_176 : memref<16x1024xf32, #tpu.memory_space<hbm>>) target_semaphore(%run_scoped3A_7 : memref<!tpu.dma_semaphore, #tpu.memory_space<semaphore_mem>>)
      %dma_wait3A_177 = arith.constant 0 : i32
      %dma_wait3A_178 = tpu.memref_slice %arg3[%add3A_152, %dma_wait3A_177] : memref<8192x1024xf32, #tpu.memory_space<hbm>> -> memref<16x1024xf32, #tpu.memory_space<hbm>>
      %dma_wait3A_179 = arith.constant 0 : i32
      %dma_wait3A_180 = tpu.memref_slice %arg3[%add3A_152, %dma_wait3A_179] : memref<8192x1024xf32, #tpu.memory_space<hbm>> -> memref<16x1024xf32, #tpu.memory_space<hbm>>
      tpu.wait_dma2 semaphore(%run_scoped3A_5 : memref<!tpu.dma_semaphore, #tpu.memory_space<semaphore_mem>>) src(%run_scoped3A : memref<16x1024xf32, #tpu.memory_space<vmem>>) dst(%dma_wait3A_180 : memref<16x1024xf32, #tpu.memory_space<hbm>>)
      %dma_wait3A_181 = arith.constant 0 : i32
      %dma_wait3A_182 = tpu.memref_slice %arg3[%add3A_162, %dma_wait3A_181] : memref<8192x1024xf32, #tpu.memory_space<hbm>> -> memref<16x1024xf32, #tpu.memory_space<hbm>>
      %dma_wait3A_183 = arith.constant 0 : i32
      %dma_wait3A_184 = tpu.memref_slice %arg3[%add3A_162, %dma_wait3A_183] : memref<8192x1024xf32, #tpu.memory_space<hbm>> -> memref<16x1024xf32, #tpu.memory_space<hbm>>
      tpu.wait_dma2 semaphore(%run_scoped3A_6 : memref<!tpu.dma_semaphore, #tpu.memory_space<semaphore_mem>>) src(%run_scoped3A_0 : memref<16x1024xf32, #tpu.memory_space<vmem>>) dst(%dma_wait3A_184 : memref<16x1024xf32, #tpu.memory_space<hbm>>)
      %dma_wait3A_185 = arith.constant 0 : i32
      %dma_wait3A_186 = tpu.memref_slice %arg3[%add3A_172, %dma_wait3A_185] : memref<8192x1024xf32, #tpu.memory_space<hbm>> -> memref<16x1024xf32, #tpu.memory_space<hbm>>
      %dma_wait3A_187 = arith.constant 0 : i32
      %dma_wait3A_188 = tpu.memref_slice %arg3[%add3A_172, %dma_wait3A_187] : memref<8192x1024xf32, #tpu.memory_space<hbm>> -> memref<16x1024xf32, #tpu.memory_space<hbm>>
      tpu.wait_dma2 semaphore(%run_scoped3A_7 : memref<!tpu.dma_semaphore, #tpu.memory_space<semaphore_mem>>) src(%run_scoped3A_1 : memref<16x1024xf32, #tpu.memory_space<vmem>>) dst(%dma_wait3A_188 : memref<16x1024xf32, #tpu.memory_space<hbm>>)
      tpu.yield
    }) : () -> ()
    return
  }
  func.func @scs_fn(%arg0: i32, %arg1: memref<8192x1024xf32, #tpu.memory_space<hbm>>, %arg2: memref<8192x1024xf32, #tpu.memory_space<hbm>>, %arg3: memref<256x1024xf32, #tpu.memory_space<vmem_shared>>, %arg4: memref<256x1024xf32, #tpu.memory_space<vmem_shared>>, %arg5: memref<256x1024xf32, #tpu.memory_space<vmem_shared>>, %arg6: memref<256x1024xf32, #tpu.memory_space<vmem_shared>>) attributes {dimension_semantics = [#tpu.dimension_semantics<core_parallel>], iteration_bounds = array<i64: 2>, scalar_prefetch = 0 : i64, scratch_operands = 4 : i64, tpu.core_type = #tpu.core_type<sc_scalar_subcore>, window_params = [{transform_indices = #map1}, {transform_indices = #map1}]} {
    "tpu.region"() ({
      %run_scoped3A = tpu.sem_alloc : memref<!tpu.dma_semaphore, #tpu.memory_space<semaphore_mem>>
      %run_scoped3A_0 = tpu.sem_alloc : memref<!tpu.dma_semaphore, #tpu.memory_space<semaphore_mem>>
      %run_scoped3A_1 = tpu.sem_alloc : memref<!tpu.dma_semaphore, #tpu.memory_space<semaphore_mem>>
      %run_scoped3A_2 = tpu.sem_alloc : memref<!tpu.dma_semaphore, #tpu.memory_space<semaphore_mem>>
      %run_scoped3A_3 = tpu.sem_alloc : memref<!tpu.dma_semaphore, #tpu.memory_space<semaphore_mem>>
      %run_scoped3A_4 = tpu.sem_alloc : memref<!tpu.dma_semaphore, #tpu.memory_space<semaphore_mem>>
      %run_scoped3A_5 = tpu.sem_alloc : memref<!tpu.dma_semaphore, #tpu.memory_space<semaphore_mem>>
      %run_scoped3A_6 = tpu.sem_alloc : memref<!tpu.dma_semaphore, #tpu.memory_space<semaphore_mem>>
      %mul3A = arith.constant 1792 : i32
      %mul3A_7 = arith.muli %arg0, %mul3A : i32
      %add3A = arith.constant 4608 : i32
      %add3A_8 = arith.addi %add3A, %mul3A_7 : i32
      %add3A_9 = arith.constant 0 : i32
      %add3A_10 = arith.addi %add3A_8, %add3A_9 : i32
      %dma_start3A = arith.constant 0 : i32
      %dma_start3A_11 = tpu.memref_slice %arg1[%add3A_10, %dma_start3A] : memref<8192x1024xf32, #tpu.memory_space<hbm>> -> memref<256x1024xf32, #tpu.memory_space<hbm>>
      tpu.enqueue_dma source(%dma_start3A_11 : memref<256x1024xf32, #tpu.memory_space<hbm>>) target(%arg3 : memref<256x1024xf32, #tpu.memory_space<vmem_shared>>) target_semaphore(%run_scoped3A : memref<!tpu.dma_semaphore, #tpu.memory_space<semaphore_mem>>)
      %add3A_12 = arith.constant 256 : i32
      %add3A_13 = arith.addi %add3A_8, %add3A_12 : i32
      %dma_start3A_14 = arith.constant 0 : i32
      %dma_start3A_15 = tpu.memref_slice %arg1[%add3A_13, %dma_start3A_14] : memref<8192x1024xf32, #tpu.memory_space<hbm>> -> memref<256x1024xf32, #tpu.memory_space<hbm>>
      tpu.enqueue_dma source(%dma_start3A_15 : memref<256x1024xf32, #tpu.memory_space<hbm>>) target(%arg4 : memref<256x1024xf32, #tpu.memory_space<vmem_shared>>) target_semaphore(%run_scoped3A_0 : memref<!tpu.dma_semaphore, #tpu.memory_space<semaphore_mem>>)
      %add3A_16 = arith.constant 512 : i32
      %add3A_17 = arith.addi %add3A_8, %add3A_16 : i32
      %dma_start3A_18 = arith.constant 0 : i32
      %dma_start3A_19 = tpu.memref_slice %arg1[%add3A_17, %dma_start3A_18] : memref<8192x1024xf32, #tpu.memory_space<hbm>> -> memref<256x1024xf32, #tpu.memory_space<hbm>>
      tpu.enqueue_dma source(%dma_start3A_19 : memref<256x1024xf32, #tpu.memory_space<hbm>>) target(%arg5 : memref<256x1024xf32, #tpu.memory_space<vmem_shared>>) target_semaphore(%run_scoped3A_1 : memref<!tpu.dma_semaphore, #tpu.memory_space<semaphore_mem>>)
      %add3A_20 = arith.constant 768 : i32
      %add3A_21 = arith.addi %add3A_8, %add3A_20 : i32
      %dma_start3A_22 = arith.constant 0 : i32
      %dma_start3A_23 = tpu.memref_slice %arg1[%add3A_21, %dma_start3A_22] : memref<8192x1024xf32, #tpu.memory_space<hbm>> -> memref<256x1024xf32, #tpu.memory_space<hbm>>
      tpu.enqueue_dma source(%dma_start3A_23 : memref<256x1024xf32, #tpu.memory_space<hbm>>) target(%arg6 : memref<256x1024xf32, #tpu.memory_space<vmem_shared>>) target_semaphore(%run_scoped3A_2 : memref<!tpu.dma_semaphore, #tpu.memory_space<semaphore_mem>>)
      %dma_wait3A = arith.constant 0 : i32
      %dma_wait3A_24 = tpu.memref_slice %arg1[%add3A_10, %dma_wait3A] : memref<8192x1024xf32, #tpu.memory_space<hbm>> -> memref<256x1024xf32, #tpu.memory_space<hbm>>
      tpu.wait_dma2 semaphore(%run_scoped3A : memref<!tpu.dma_semaphore, #tpu.memory_space<semaphore_mem>>) src(%dma_wait3A_24 : memref<256x1024xf32, #tpu.memory_space<hbm>>) dst(%arg3 : memref<256x1024xf32, #tpu.memory_space<vmem_shared>>)
      %add3A_25 = arith.constant 0 : i32
      %add3A_26 = arith.addi %add3A_8, %add3A_25 : i32
      %dma_start3A_27 = arith.constant 0 : i32
      %dma_start3A_28 = tpu.memref_slice %arg2[%add3A_26, %dma_start3A_27] : memref<8192x1024xf32, #tpu.memory_space<hbm>> -> memref<256x1024xf32, #tpu.memory_space<hbm>>
      tpu.enqueue_dma source(%arg3 : memref<256x1024xf32, #tpu.memory_space<vmem_shared>>) target(%dma_start3A_28 : memref<256x1024xf32, #tpu.memory_space<hbm>>) target_semaphore(%run_scoped3A_3 : memref<!tpu.dma_semaphore, #tpu.memory_space<semaphore_mem>>)
      %dma_wait3A_29 = arith.constant 0 : i32
      %dma_wait3A_30 = tpu.memref_slice %arg2[%add3A_26, %dma_wait3A_29] : memref<8192x1024xf32, #tpu.memory_space<hbm>> -> memref<256x1024xf32, #tpu.memory_space<hbm>>
      tpu.wait_dma2 semaphore(%run_scoped3A_3 : memref<!tpu.dma_semaphore, #tpu.memory_space<semaphore_mem>>) src(%arg3 : memref<256x1024xf32, #tpu.memory_space<vmem_shared>>) dst(%dma_wait3A_30 : memref<256x1024xf32, #tpu.memory_space<hbm>>)
      %add3A_31 = arith.constant 1024 : i32
      %add3A_32 = arith.addi %add3A_8, %add3A_31 : i32
      %dma_start3A_33 = arith.constant 0 : i32
      %dma_start3A_34 = tpu.memref_slice %arg1[%add3A_32, %dma_start3A_33] : memref<8192x1024xf32, #tpu.memory_space<hbm>> -> memref<256x1024xf32, #tpu.memory_space<hbm>>
      tpu.enqueue_dma source(%dma_start3A_34 : memref<256x1024xf32, #tpu.memory_space<hbm>>) target(%arg3 : memref<256x1024xf32, #tpu.memory_space<vmem_shared>>) target_semaphore(%run_scoped3A : memref<!tpu.dma_semaphore, #tpu.memory_space<semaphore_mem>>)
      %dma_wait3A_35 = arith.constant 0 : i32
      %dma_wait3A_36 = tpu.memref_slice %arg1[%add3A_13, %dma_wait3A_35] : memref<8192x1024xf32, #tpu.memory_space<hbm>> -> memref<256x1024xf32, #tpu.memory_space<hbm>>
      tpu.wait_dma2 semaphore(%run_scoped3A_0 : memref<!tpu.dma_semaphore, #tpu.memory_space<semaphore_mem>>) src(%dma_wait3A_36 : memref<256x1024xf32, #tpu.memory_space<hbm>>) dst(%arg4 : memref<256x1024xf32, #tpu.memory_space<vmem_shared>>)
      %add3A_37 = arith.constant 256 : i32
      %add3A_38 = arith.addi %add3A_8, %add3A_37 : i32
      %dma_start3A_39 = arith.constant 0 : i32
      %dma_start3A_40 = tpu.memref_slice %arg2[%add3A_38, %dma_start3A_39] : memref<8192x1024xf32, #tpu.memory_space<hbm>> -> memref<256x1024xf32, #tpu.memory_space<hbm>>
      tpu.enqueue_dma source(%arg4 : memref<256x1024xf32, #tpu.memory_space<vmem_shared>>) target(%dma_start3A_40 : memref<256x1024xf32, #tpu.memory_space<hbm>>) target_semaphore(%run_scoped3A_4 : memref<!tpu.dma_semaphore, #tpu.memory_space<semaphore_mem>>)
      %dma_wait3A_41 = arith.constant 0 : i32
      %dma_wait3A_42 = tpu.memref_slice %arg2[%add3A_38, %dma_wait3A_41] : memref<8192x1024xf32, #tpu.memory_space<hbm>> -> memref<256x1024xf32, #tpu.memory_space<hbm>>
      tpu.wait_dma2 semaphore(%run_scoped3A_4 : memref<!tpu.dma_semaphore, #tpu.memory_space<semaphore_mem>>) src(%arg4 : memref<256x1024xf32, #tpu.memory_space<vmem_shared>>) dst(%dma_wait3A_42 : memref<256x1024xf32, #tpu.memory_space<hbm>>)
      %add3A_43 = arith.constant 1280 : i32
      %add3A_44 = arith.addi %add3A_8, %add3A_43 : i32
      %dma_start3A_45 = arith.constant 0 : i32
      %dma_start3A_46 = tpu.memref_slice %arg1[%add3A_44, %dma_start3A_45] : memref<8192x1024xf32, #tpu.memory_space<hbm>> -> memref<256x1024xf32, #tpu.memory_space<hbm>>
      tpu.enqueue_dma source(%dma_start3A_46 : memref<256x1024xf32, #tpu.memory_space<hbm>>) target(%arg4 : memref<256x1024xf32, #tpu.memory_space<vmem_shared>>) target_semaphore(%run_scoped3A_0 : memref<!tpu.dma_semaphore, #tpu.memory_space<semaphore_mem>>)
      %dma_wait3A_47 = arith.constant 0 : i32
      %dma_wait3A_48 = tpu.memref_slice %arg1[%add3A_17, %dma_wait3A_47] : memref<8192x1024xf32, #tpu.memory_space<hbm>> -> memref<256x1024xf32, #tpu.memory_space<hbm>>
      tpu.wait_dma2 semaphore(%run_scoped3A_1 : memref<!tpu.dma_semaphore, #tpu.memory_space<semaphore_mem>>) src(%dma_wait3A_48 : memref<256x1024xf32, #tpu.memory_space<hbm>>) dst(%arg5 : memref<256x1024xf32, #tpu.memory_space<vmem_shared>>)
      %add3A_49 = arith.constant 512 : i32
      %add3A_50 = arith.addi %add3A_8, %add3A_49 : i32
      %dma_start3A_51 = arith.constant 0 : i32
      %dma_start3A_52 = tpu.memref_slice %arg2[%add3A_50, %dma_start3A_51] : memref<8192x1024xf32, #tpu.memory_space<hbm>> -> memref<256x1024xf32, #tpu.memory_space<hbm>>
      tpu.enqueue_dma source(%arg5 : memref<256x1024xf32, #tpu.memory_space<vmem_shared>>) target(%dma_start3A_52 : memref<256x1024xf32, #tpu.memory_space<hbm>>) target_semaphore(%run_scoped3A_5 : memref<!tpu.dma_semaphore, #tpu.memory_space<semaphore_mem>>)
      %dma_wait3A_53 = arith.constant 0 : i32
      %dma_wait3A_54 = tpu.memref_slice %arg2[%add3A_50, %dma_wait3A_53] : memref<8192x1024xf32, #tpu.memory_space<hbm>> -> memref<256x1024xf32, #tpu.memory_space<hbm>>
      tpu.wait_dma2 semaphore(%run_scoped3A_5 : memref<!tpu.dma_semaphore, #tpu.memory_space<semaphore_mem>>) src(%arg5 : memref<256x1024xf32, #tpu.memory_space<vmem_shared>>) dst(%dma_wait3A_54 : memref<256x1024xf32, #tpu.memory_space<hbm>>)
      %add3A_55 = arith.constant 1536 : i32
      %add3A_56 = arith.addi %add3A_8, %add3A_55 : i32
      %dma_start3A_57 = arith.constant 0 : i32
      %dma_start3A_58 = tpu.memref_slice %arg1[%add3A_56, %dma_start3A_57] : memref<8192x1024xf32, #tpu.memory_space<hbm>> -> memref<256x1024xf32, #tpu.memory_space<hbm>>
      tpu.enqueue_dma source(%dma_start3A_58 : memref<256x1024xf32, #tpu.memory_space<hbm>>) target(%arg5 : memref<256x1024xf32, #tpu.memory_space<vmem_shared>>) target_semaphore(%run_scoped3A_1 : memref<!tpu.dma_semaphore, #tpu.memory_space<semaphore_mem>>)
      %dma_wait3A_59 = arith.constant 0 : i32
      %dma_wait3A_60 = tpu.memref_slice %arg1[%add3A_21, %dma_wait3A_59] : memref<8192x1024xf32, #tpu.memory_space<hbm>> -> memref<256x1024xf32, #tpu.memory_space<hbm>>
      tpu.wait_dma2 semaphore(%run_scoped3A_2 : memref<!tpu.dma_semaphore, #tpu.memory_space<semaphore_mem>>) src(%dma_wait3A_60 : memref<256x1024xf32, #tpu.memory_space<hbm>>) dst(%arg6 : memref<256x1024xf32, #tpu.memory_space<vmem_shared>>)
      %add3A_61 = arith.constant 768 : i32
      %add3A_62 = arith.addi %add3A_8, %add3A_61 : i32
      %dma_start3A_63 = arith.constant 0 : i32
      %dma_start3A_64 = tpu.memref_slice %arg2[%add3A_62, %dma_start3A_63] : memref<8192x1024xf32, #tpu.memory_space<hbm>> -> memref<256x1024xf32, #tpu.memory_space<hbm>>
      tpu.enqueue_dma source(%arg6 : memref<256x1024xf32, #tpu.memory_space<vmem_shared>>) target(%dma_start3A_64 : memref<256x1024xf32, #tpu.memory_space<hbm>>) target_semaphore(%run_scoped3A_6 : memref<!tpu.dma_semaphore, #tpu.memory_space<semaphore_mem>>)
      %dma_wait3A_65 = arith.constant 0 : i32
      %dma_wait3A_66 = tpu.memref_slice %arg1[%add3A_32, %dma_wait3A_65] : memref<8192x1024xf32, #tpu.memory_space<hbm>> -> memref<256x1024xf32, #tpu.memory_space<hbm>>
      tpu.wait_dma2 semaphore(%run_scoped3A : memref<!tpu.dma_semaphore, #tpu.memory_space<semaphore_mem>>) src(%dma_wait3A_66 : memref<256x1024xf32, #tpu.memory_space<hbm>>) dst(%arg3 : memref<256x1024xf32, #tpu.memory_space<vmem_shared>>)
      %add3A_67 = arith.constant 1024 : i32
      %add3A_68 = arith.addi %add3A_8, %add3A_67 : i32
      %dma_start3A_69 = arith.constant 0 : i32
      %dma_start3A_70 = tpu.memref_slice %arg2[%add3A_68, %dma_start3A_69] : memref<8192x1024xf32, #tpu.memory_space<hbm>> -> memref<256x1024xf32, #tpu.memory_space<hbm>>
      tpu.enqueue_dma source(%arg3 : memref<256x1024xf32, #tpu.memory_space<vmem_shared>>) target(%dma_start3A_70 : memref<256x1024xf32, #tpu.memory_space<hbm>>) target_semaphore(%run_scoped3A_3 : memref<!tpu.dma_semaphore, #tpu.memory_space<semaphore_mem>>)
      %dma_wait3A_71 = arith.constant 0 : i32
      %dma_wait3A_72 = tpu.memref_slice %arg1[%add3A_44, %dma_wait3A_71] : memref<8192x1024xf32, #tpu.memory_space<hbm>> -> memref<256x1024xf32, #tpu.memory_space<hbm>>
      tpu.wait_dma2 semaphore(%run_scoped3A_0 : memref<!tpu.dma_semaphore, #tpu.memory_space<semaphore_mem>>) src(%dma_wait3A_72 : memref<256x1024xf32, #tpu.memory_space<hbm>>) dst(%arg4 : memref<256x1024xf32, #tpu.memory_space<vmem_shared>>)
      %add3A_73 = arith.constant 1280 : i32
      %add3A_74 = arith.addi %add3A_8, %add3A_73 : i32
      %dma_start3A_75 = arith.constant 0 : i32
      %dma_start3A_76 = tpu.memref_slice %arg2[%add3A_74, %dma_start3A_75] : memref<8192x1024xf32, #tpu.memory_space<hbm>> -> memref<256x1024xf32, #tpu.memory_space<hbm>>
      tpu.enqueue_dma source(%arg4 : memref<256x1024xf32, #tpu.memory_space<vmem_shared>>) target(%dma_start3A_76 : memref<256x1024xf32, #tpu.memory_space<hbm>>) target_semaphore(%run_scoped3A_4 : memref<!tpu.dma_semaphore, #tpu.memory_space<semaphore_mem>>)
      %dma_wait3A_77 = arith.constant 0 : i32
      %dma_wait3A_78 = tpu.memref_slice %arg1[%add3A_56, %dma_wait3A_77] : memref<8192x1024xf32, #tpu.memory_space<hbm>> -> memref<256x1024xf32, #tpu.memory_space<hbm>>
      tpu.wait_dma2 semaphore(%run_scoped3A_1 : memref<!tpu.dma_semaphore, #tpu.memory_space<semaphore_mem>>) src(%dma_wait3A_78 : memref<256x1024xf32, #tpu.memory_space<hbm>>) dst(%arg5 : memref<256x1024xf32, #tpu.memory_space<vmem_shared>>)
      %add3A_79 = arith.constant 1536 : i32
      %add3A_80 = arith.addi %add3A_8, %add3A_79 : i32
      %dma_start3A_81 = arith.constant 0 : i32
      %dma_start3A_82 = tpu.memref_slice %arg2[%add3A_80, %dma_start3A_81] : memref<8192x1024xf32, #tpu.memory_space<hbm>> -> memref<256x1024xf32, #tpu.memory_space<hbm>>
      tpu.enqueue_dma source(%arg5 : memref<256x1024xf32, #tpu.memory_space<vmem_shared>>) target(%dma_start3A_82 : memref<256x1024xf32, #tpu.memory_space<hbm>>) target_semaphore(%run_scoped3A_5 : memref<!tpu.dma_semaphore, #tpu.memory_space<semaphore_mem>>)
      %dma_wait3A_83 = arith.constant 0 : i32
      %dma_wait3A_84 = tpu.memref_slice %arg2[%add3A_68, %dma_wait3A_83] : memref<8192x1024xf32, #tpu.memory_space<hbm>> -> memref<256x1024xf32, #tpu.memory_space<hbm>>
      tpu.wait_dma2 semaphore(%run_scoped3A_3 : memref<!tpu.dma_semaphore, #tpu.memory_space<semaphore_mem>>) src(%arg3 : memref<256x1024xf32, #tpu.memory_space<vmem_shared>>) dst(%dma_wait3A_84 : memref<256x1024xf32, #tpu.memory_space<hbm>>)
      %dma_wait3A_85 = arith.constant 0 : i32
      %dma_wait3A_86 = tpu.memref_slice %arg2[%add3A_74, %dma_wait3A_85] : memref<8192x1024xf32, #tpu.memory_space<hbm>> -> memref<256x1024xf32, #tpu.memory_space<hbm>>
      tpu.wait_dma2 semaphore(%run_scoped3A_4 : memref<!tpu.dma_semaphore, #tpu.memory_space<semaphore_mem>>) src(%arg4 : memref<256x1024xf32, #tpu.memory_space<vmem_shared>>) dst(%dma_wait3A_86 : memref<256x1024xf32, #tpu.memory_space<hbm>>)
      %dma_wait3A_87 = arith.constant 0 : i32
      %dma_wait3A_88 = tpu.memref_slice %arg2[%add3A_80, %dma_wait3A_87] : memref<8192x1024xf32, #tpu.memory_space<hbm>> -> memref<256x1024xf32, #tpu.memory_space<hbm>>
      tpu.wait_dma2 semaphore(%run_scoped3A_5 : memref<!tpu.dma_semaphore, #tpu.memory_space<semaphore_mem>>) src(%arg5 : memref<256x1024xf32, #tpu.memory_space<vmem_shared>>) dst(%dma_wait3A_88 : memref<256x1024xf32, #tpu.memory_space<hbm>>)
      %dma_wait3A_89 = arith.constant 0 : i32
      %dma_wait3A_90 = tpu.memref_slice %arg2[%add3A_62, %dma_wait3A_89] : memref<8192x1024xf32, #tpu.memory_space<hbm>> -> memref<256x1024xf32, #tpu.memory_space<hbm>>
      tpu.wait_dma2 semaphore(%run_scoped3A_6 : memref<!tpu.dma_semaphore, #tpu.memory_space<semaphore_mem>>) src(%arg6 : memref<256x1024xf32, #tpu.memory_space<vmem_shared>>) dst(%dma_wait3A_90 : memref<256x1024xf32, #tpu.memory_space<hbm>>)
      tpu.yield
    }) : () -> ()
    return
  }
}

</mosaic_0001>

<sc_bundles>
// kernel: kernel.3.cloned.1.call-start
scs
__scs_entry_jumppad:
0x0: {  	(pc) =	sbr.rel $0x88, $3  }
0x1: {  	(tag) =	ssettag $0x0;
	lr =	simm.s32 $0x1  }
0x2: {  	[smem:$0x3FA0] =	sst lr;
	_ =	strace $0xD0000000  }
0x3: {  	_ = 	snop  }
0x4: {  	_ = 	snop  }
0x5: {  	_ = 	snop  }
0x6: {  	_ = 	snop  }
0x7: {  	_ = 	snop  }
__scs_overlays_trampoline_lowered:
0x8: {  	[smem:$0x3FAF] =	sst s0  }
0x9: {  	[smem:$0x3FB0] =	sst s1  }
0xa: {  	[smem:$0x3FB1] =	sst s2  }
0xb: {  	[smem:$0x3FB2] =	sst s3  }
0xc: {  	[smem:$0x3FB3] =	sst s4  }
0xd: {  	[smem:$0x3FB4] =	sst s5  }
0xe: {  	[smem:$0x3FB5] =	sst s6  }
0xf: {  	[smem:$0x3FB6] =	sst s7  }
0x10: {  	[smem:$0x3FB7] =	sst s8  }
0x11: {  	[smem:$0x3FB8] =	sst s9;
	s0 =	simm.s32 @!p0 $0x0  }
0x12: {  	s1 =	sld [smem:$0x3F9E];
	s0 =	simm.s32 @p0 $0x1  }
0x13: {  	[smem:$0x3FB9] =	sst s0;
	s0 =	simm.s32 @!p1 $0x0  }
0x14: {  	s2 =	sld [smem:$0x3F9D];
	s0 =	simm.s32 @p1 $0x1  }
0x15: {  	[smem:$0x3FBA] =	sst s0;
	s0 =	simm.s32 @!p2 $0x0  }
0x16: {  	s3 =	sld [smem:$0x3FDB];
	s0 =	simm.s32 @p2 $0x1  }
0x17: {  	s4 =	simm.s32 $0x1BF5;
	[smem:$0x3FBC] =	sst s0  }
0x18: {  	s0 =	sld [smem:$0x3F9F];
	_ =	swait.ge [sflag:s4], $0x0  }
0x19: {  	s7 =	sld [smem:$0x3FA0]  }
0x1a: {  	s8 =	sadd.s32 $0xFFFFE003, lr  }
0x1b: {  	s9 =	sadd.s32 $0xFFFFFEF7, lr;
	s5 =	simm.s32 $0xFFFFFFFF;
	p2 =	slt.u32 s8, $0xFFFFF086  }
0x1c: {  	p1 =	slt.u32 s9, $0xF7A;
	s5 =	simm.s32 @!p2 $0x0  }
0x1d: {  	s5 =	simm.s32 @p1 $0x1;
	p0 =	seq.s32 s7, s2  }
0x1e: {  	s7 =	smul.u32 @!p0 $0xF7A, s2;
	p2 =	seq.s32 @!p0 s5, $0x0  }
0x1f: {  	s9 =	smul.u32 $0xF7A, s1;
	s8 =	simm.s32 @!p0 $0x1BF5;
	p2 =	por !p2, p0  }
0x20: {  	[sflag:s8] =	ssyncset.s32 @!p0 $0xFFFFF086;
	s6 =	sadd.s32 @!p0 s3, s7;
	s7 =	simm.s32 @!p0 $0x108  }
0x21: {  	s3 =	sadd.s32 s3, s9;
	s6 =	sadd.s32 @!p0 $0x88, s6;
	s7 =	simm.s32 @p2 $0x1082  }
0x22: {  	[simem:s7], [sflag:s8] =	dma.local @!p0 [hbm:s6], $0xF7A  }
0x23: {  	s9 =	sor.u32 $0xD0000000, s2;
	s6 =	simm.s32 $0x108;
	_ =	swait.ge @!p0 [sflag:s8], $0x0  }
0x24: {  	s3 =	sadd.s32 $0x88, s3;
	s6 =	simm.s32 @!p1 $0x1082;
	[sflag:s4] =	ssyncset.s32 $0xFFFFF086  }
0x25: {  	[simem:s6], [sflag:s4] =	dma.local [hbm:s3], $0xF7A  }
0x26: {  	[smem:$0x3FA0] =	sst s1;
	(tag) =	ssettag s2;
	_ =	strace s9  }
0x27: {  	s1 =	sld [smem:$0x3FB0]  }
0x28: {  	s2 =	sld [smem:$0x3FB1]  }
0x29: {  	s4 =	sld [smem:$0x3FB3]  }
0x2a: {  	p0 =	seq.s32 s5, $0x0;
	s5 =	sld [smem:$0x3FB4]  }
0x2b: {  	s6 =	sld [smem:$0x3FB5]  }
0x2c: {  	s7 =	sld [smem:$0x3FB6]  }
0x2d: {  	s3 =	simm.s32 $0x108;
	s8 =	sld [smem:$0x3FB7]  }
0x2e: {  	s3 =	simm.s32 @!p0 $0x1082;
	s9 =	sld [smem:$0x3FB8]  }
0x2f: {  	lr =	sadd.s32 s0, s3;
	s0 =	sld [smem:$0x3FAF]  }
0x30: {  	s3 =	sld [smem:$0x3FB2]  }
0x31: {  	[smem:$0x3FBB] =	sst s10  }
0x32: {  	s10 =	sld [smem:$0x3FB9];
	_ =	sdelay $0x3  }
0x33: {  	p0 =	seq.s32 s10, $0x1;
	s10 =	sld [smem:$0x3FBB];
	_ =	sdelay $0x3  }
0x34: {  	[smem:$0x3FBB] =	sst s10  }
0x35: {  	s10 =	sld [smem:$0x3FBA];
	_ =	sdelay $0x3  }
0x36: {  	p1 =	seq.s32 s10, $0x1;
	s10 =	sld [smem:$0x3FBB];
	_ =	sdelay $0x3  }
0x37: {  	[smem:$0x3FBB] =	sst s10  }
0x38: {  	s10 =	sld [smem:$0x3FBC]  }
0x39: {  	_ = 	snop;
	(pc) =	sbr.ind lr, $3  }
0x3a: {  	_ = 	snop  }
0x3b: {  	_ = 	snop  }
0x3c: {  	p2 =	seq.s32 s10, $0x1;
	s10 =	sld [smem:$0x3FBB]  }
0x3d: {  	_ =	shalt  }
0x3e: {  	_ =	shalt  }
0x3f: {  	_ =	shalt  }
0x40: {  	_ =	shalt  }
0x41: {  	_ =	shalt  }
0x42: {  	_ =	shalt  }
0x43: {  	_ =	shalt  }
0x44: {  	_ =	shalt  }
0x45: {  	_ =	shalt  }
0x46: {  	_ =	shalt  }
0x47: {  	_ =	shalt  }
0x48: {  	_ =	shalt  }
0x49: {  	_ =	shalt  }
0x4a: {  	_ =	shalt  }
0x4b: {  	_ =	shalt  }
0x4c: {  	_ =	shalt  }
0x4d: {  	_ =	shalt  }
0x4e: {  	_ =	shalt  }
0x4f: {  	_ =	shalt  }
0x50: {  	_ =	shalt  }
0x51: {  	_ =	shalt  }
0x52: {  	_ =	shalt  }
0x53: {  	_ =	shalt  }
0x54: {  	_ =	shalt  }
0x55: {  	_ =	shalt  }
0x56: {  	_ =	shalt  }
0x57: {  	_ =	shalt  }
0x58: {  	_ =	shalt  }
0x59: {  	_ =	shalt  }
0x5a: {  	_ =	shalt  }
0x5b: {  	_ =	shalt  }
0x5c: {  	_ =	shalt  }
0x5d: {  	_ =	shalt  }
0x5e: {  	_ =	shalt  }
0x5f: {  	_ =	shalt  }
0x60: {  	_ =	shalt  }
0x61: {  	_ =	shalt  }
0x62: {  	_ =	shalt  }
0x63: {  	_ =	shalt  }
0x64: {  	_ =	shalt  }
0x65: {  	_ =	shalt  }
0x66: {  	_ =	shalt  }
0x67: {  	_ =	shalt  }
0x68: {  	_ =	shalt  }
0x69: {  	_ =	shalt  }
0x6a: {  	_ =	shalt  }
0x6b: {  	_ =	shalt  }
0x6c: {  	_ =	shalt  }
0x6d: {  	_ =	shalt  }
0x6e: {  	_ =	shalt  }
0x6f: {  	_ =	shalt  }
0x70: {  	_ =	shalt  }
0x71: {  	_ =	shalt  }
0x72: {  	_ =	shalt  }
0x73: {  	_ =	shalt  }
0x74: {  	_ =	shalt  }
0x75: {  	_ =	shalt  }
0x76: {  	_ =	shalt  }
0x77: {  	_ =	shalt  }
0x78: {  	_ =	shalt  }
0x79: {  	_ =	shalt  }
0x7a: {  	_ =	shalt  }
0x7b: {  	_ =	shalt  }
0x7c: {  	_ =	shalt  }
0x7d: {  	_ =	shalt  }
0x7e: {  	_ =	shalt  }
0x7f: {  	_ =	shalt  }
0x80: {  	_ =	shalt  }
0x81: {  	_ =	shalt  }
0x82: {  	_ =	shalt  }
0x83: {  	_ =	shalt  }
0x84: {  	_ =	shalt  }
0x85: {  	_ =	shalt  }
0x86: {  	_ =	shalt  }
0x87: {  	_ =	shalt  }
.Lfunc_end0:
.L_simem_size_0:
called_computation_lowered:
.L_overlay_start_0:
0x88: {  	s1 =	sld [smem:$0x3FD9]  }
0x89: {  	s3 =	sld [smem:$0x3FFE];
	_ =	sdelay $0x1  }
0x8a: {  	s2 =	srdreg.scid  }
0x8b: {  	s0 =	sand.u32 $0x1, s2  }
0x8c: {  	s17 =	sshll.u32 s0, $0xA;
	s1 =	sadd.s32 s3, s1  }
0x8d: {  	s1 =	sadd.s32 s1, s17  }
0x8e: {  	[smem:$0x3FC7] =	sst s1  }
0x8f: {  	_ = 	snop  }
0x90: {  	s1 =	simm.s32 $0x0;
	s4 =	sld [smem:$0x3FC9]  }
0x91: {  	[smem:$0xF] =	sst s1  }
0x92: {  	s3 =	sld [smem:$0x3FD0];
	(tm) =	ssettm $0x1  }
0x93: {  	s5 =	sld [smem:$0x3FFB];
	_ =	sdelay $0x3  }
0x94: {  	_ =	strace s5  }
0x95: {  	s5 =	sld [smem:$0x3FFC];
	_ =	sdelay $0x3  }
0x96: {  	_ =	strace s5  }
0x97: {  	s5 =	sld [smem:$0x3FFD];
	_ =	sdelay $0x3  }
0x98: {  	_ =	strace s5  }
0x99: {  	_ =	strace $0x8FFFFFFF  }
0x9a: {  	s18 =	sld [smem:$0x3FDB];
	_ =	sdelay $0x2  }
0x9b: {  	s6 =	simm.s32 $_scs_section_size;
	s7 =	simm.s32 $_tile_overlayer_lowered  }
0x9c: {  	s19 =	simm.s32 $_size__tile_overlayer_lowered;
	s7 =	sshll.u32 s7, $0x1;
	s5 =	sadd.s32 s6, s18  }
0x9d: {  	s8 =	simm.s32 $0x1BFF;
	s6 =	sshll.u32 s19, $0x1;
	s7 =	sadd.s32 s7, s5  }
0x9e: {  	[timem:s1], [sflag:s8] =	dma.local [hbm:s7], s6  }
0x9f: {  	_ =	swait.ge [sflag:s8], s6  }
0xa0: {  	s6 =	ssub.s32 $0x0, s6;
	[sflag:s8] =	ssyncset.done $0x0  }
0xa1: {  	[sflag:s8] =	ssyncadd.s32 s6;
	_ =	sdelay $0x1  }
0xa2: {  	s20 =	simm.s32 $0x1B8B  }
0xa3: {  	_ =	swait.ge [sflag:s20], $0x1  }
0xa4: {  	[sflag:s20] =	ssyncset.done $0x0  }
0xa5: {  	s21 =	simm.s32 $0x1B8E;
	[sflag:s20] =	ssyncadd.s32 $0xFFFFFFFF  }
0xa6: {  	s22 =	simm.s32 $execute0_lowered;
	[smem:$0x3FD2] =	sst s21  }
0xa7: {  	s6 =	sshll.u32 s22, $0x1;
	_ =	strace $0x80000046;
	[dreg:$0x1] =	wrdreg $0xFFFFFFFF  }
0xa8: {  	s23 =	simm.s32 $_size_execute0_lowered;
	s5 =	sadd.s32 s5, s6;
	[dreg:$0x0] =	wrdreg $0x0  }
0xa9: {  	s6 =	sshll.u32 s23, $0x1;
	[dreg:$0x2] =	wrdreg s5  }
0xaa: {  	s24 =	smul.u32 $0x1C0000, s0;
	[dreg:$0x3] =	wrdreg s6  }
0xab: {  	s11 =	simm.s32 $0xA;
	s28 =	simm.s32 $0xB;
	[dreg:$0x4] =	wrdreg $0xC0  }
0xac: {  	s16 =	simm.s32 $0xD;
	s9 =	sshrl.u32 s24, $0x3;
	_ =	task [dreg:s1], $0x5FFFF  }
0xad: {  	s10 =	sadd.s32 $0x90000, s9;
	s12 =	sadd.s32 $0x98000, s9;
	[dreg:$0x1] =	wrdreg $0xFFFFFFFF  }
0xae: {  	s13 =	sadd.s32 $0xA0000, s9;
	s29 =	sadd.s32 $0xA8000, s9;
	[dreg:$0x0] =	wrdreg $0x60  }
0xaf: {  	s17 =	simm.s32 $0x18000;
	s25 =	sadd.s32 s10, s4;
	[dreg:$0x2] =	wrdreg s4  }
0xb0: {  	s26 =	sadd.s32 s12, s4;
	s14 =	sadd.s32 s13, s4;
	[dreg:$0x3] =	wrdreg s3  }
0xb1: {  	s15 =	sadd.s32 s29, s4;
	s8 =	simm.s32 $0xC;
	[dreg:$0x4] =	wrdreg $0x9  }
0xb2: {  	s5 =	simm.s32 $0x8000;
	s6 =	simm.s32 $0x10000;
	_ =	task.clear_ibuf [dreg:s1], $0x5FFFF  }
0xb3: {  	[spmem:s1], [sflag:s11] =	dma.local [hbm:s25], $0x8000  }
0xb4: {  	[spmem:s5], [sflag:s28] =	dma.local [hbm:s26], $0x8000  }
0xb5: {  	[spmem:s6], [sflag:s8] =	dma.local [hbm:s14], $0x8000  }
0xb6: {  	[spmem:s17], [sflag:s16] =	dma.local [hbm:s15], $0x8000  }
0xb7: {  	_ =	swait.ge [sflag:s11], $0x8000  }
0xb8: {  	[sflag:s11] =	ssyncset.done $0x0  }
0xb9: {  	[sflag:s11] =	ssyncadd.s32 $0xFFFF8000  }
0xba: {  	s30 =	simm.s32 $0xE;
	s10 =	sadd.s32 s10, s3  }
0xbb: {  	[hbm:s10], [sflag:s30] =	dma.local [spmem:s1], $0x8000  }
0xbc: {  	_ =	swait.ge [sflag:s30], $0x8000  }
0xbd: {  	[sflag:s30] =	ssyncset.done $0x0  }
0xbe: {  	s31 =	sadd.s32 $0xB0000, s9;
	[sflag:s30] =	ssyncadd.s32 $0xFFFF8000  }
0xbf: {  	s18 =	sadd.s32 s31, s4  }
0xc0: {  	[spmem:s1], [sflag:s11] =	dma.local [hbm:s18], $0x8000  }
0xc1: {  	_ =	swait.ge [sflag:s28], $0x8000  }
0xc2: {  	[sflag:s28] =	ssyncset.done $0x0  }
0xc3: {  	[sflag:s28] =	ssyncadd.s32 $0xFFFF8000  }
0xc4: {  	s12 =	sadd.s32 s12, s3;
	s19 =	simm.s32 $0xF  }
0xc5: {  	[hbm:s12], [sflag:s19] =	dma.local [spmem:s5], $0x8000  }
0xc6: {  	_ =	swait.ge [sflag:s19], $0x8000  }
0xc7: {  	[sflag:s19] =	ssyncset.done $0x0  }
0xc8: {  	s9 =	sadd.s32 $0xB8000, s9;
	[sflag:s19] =	ssyncadd.s32 $0xFFFF8000  }
0xc9: {  	s20 =	sadd.s32 s9, s4  }
0xca: {  	[spmem:s5], [sflag:s28] =	dma.local [hbm:s20], $0x8000  }
0xcb: {  	_ =	swait.ge [sflag:s8], $0x8000  }
0xcc: {  	[sflag:s8] =	ssyncset.done $0x0  }
0xcd: {  	[sflag:s8] =	ssyncadd.s32 $0xFFFF8000  }
0xce: {  	s22 =	simm.s32 $0x10;
	s21 =	sadd.s32 s13, s3  }
0xcf: {  	[hbm:s21], [sflag:s22] =	dma.local [spmem:s6], $0x8000  }
0xd0: {  	s23 =	smul.u32 $0x38000, s0;
	_ =	swait.ge [sflag:s22], $0x8000  }
0xd1: {  	[sflag:s22] =	ssyncset.done $0x0  }
0xd2: {  	s12 =	sor.u32 $0xC0000, s23;
	[sflag:s22] =	ssyncadd.s32 $0xFFFF8000  }
0xd3: {  	s4 =	sadd.s32 s12, s4  }
0xd4: {  	[spmem:s6], [sflag:s8] =	dma.local [hbm:s4], $0x8000  }
0xd5: {  	_ =	swait.ge [sflag:s16], $0x8000  }
0xd6: {  	[sflag:s16] =	ssyncset.done $0x0  }
0xd7: {  	[sflag:s16] =	ssyncadd.s32 $0xFFFF8000  }
0xd8: {  	s24 =	sadd.s32 s29, s3;
	s25 =	simm.s32 $0x11  }
0xd9: {  	[hbm:s24], [sflag:s25] =	dma.local [spmem:s17], $0x8000  }
0xda: {  	_ =	swait.ge [sflag:s11], $0x8000  }
0xdb: {  	[sflag:s11] =	ssyncset.done $0x0  }
0xdc: {  	[sflag:s11] =	ssyncadd.s32 $0xFFFF8000  }
0xdd: {  	s26 =	sadd.s32 s31, s3  }
0xde: {  	[hbm:s26], [sflag:s30] =	dma.local [spmem:s1], $0x8000  }
0xdf: {  	_ =	swait.ge [sflag:s28], $0x8000  }
0xe0: {  	[sflag:s28] =	ssyncset.done $0x0  }
0xe1: {  	[sflag:s28] =	ssyncadd.s32 $0xFFFF8000  }
0xe2: {  	s28 =	sadd.s32 s9, s3  }
0xe3: {  	[hbm:s28], [sflag:s19] =	dma.local [spmem:s5], $0x8000  }
0xe4: {  	_ =	swait.ge [sflag:s8], $0x8000  }
0xe5: {  	[sflag:s8] =	ssyncset.done $0x0  }
0xe6: {  	[sflag:s8] =	ssyncadd.s32 $0xFFFF8000  }
0xe7: {  	s3 =	sadd.s32 s12, s3  }
0xe8: {  	[hbm:s3], [sflag:s22] =	dma.local [spmem:s6], $0x8000  }
0xe9: {  	_ =	swait.ge [sflag:s30], $0x8000  }
0xea: {  	[sflag:s30] =	ssyncset.done $0x0  }
0xeb: {  	[sflag:s30] =	ssyncadd.s32 $0xFFFF8000;
	_ =	sdelay $0x2  }
0xec: {  	_ =	swait.ge [sflag:s19], $0x8000  }
0xed: {  	[sflag:s19] =	ssyncset.done $0x0  }
0xee: {  	[sflag:s19] =	ssyncadd.s32 $0xFFFF8000;
	_ =	sdelay $0x2  }
0xef: {  	_ =	swait.ge [sflag:s22], $0x8000  }
0xf0: {  	[sflag:s22] =	ssyncset.done $0x0  }
0xf1: {  	[sflag:s22] =	ssyncadd.s32 $0xFFFF8000;
	_ =	sdelay $0x2  }
0xf2: {  	_ =	swait.ge [sflag:s25], $0x8000  }
0xf3: {  	[sflag:s25] =	ssyncset.done $0x0  }
0xf4: {  	[sflag:s25] =	ssyncadd.s32 $0xFFFF8000  }
0xf5: {  	_ =	strace $0x90000046  }
0xf6: {  	s29 =	simm.s32 $0x9;
	_ =	strace $0x80000048  }
0xf7: {  	_ =	swait.ge [sflag:s29], $0x1  }
0xf8: {  	[sflag:s29] =	ssyncadd.s32 $0xFFFFFFFF  }
0xf9: {  	_ =	strace $0x90000048  }
0xfa: {  	_ =	sfence  }
0xfb: {  	s30 =	sld [smem:$0x0];
	_ =	sdelay $0x2  }
0xfc: {  	s31 =	sshll.u32 s2, $0xD;
	s2 =	sshrl.u32 s2, $0x2  }
0xfd: {  	s4 =	sand.u32 $0x4000, s31;
	s2 =	sadd.s32 s2, s30  }
0xfe: {  	s0 =	sor.u32 s4, s0;
	s2 =	sshll.u32 s2, $0x11  }
0xff: {  	s0 =	sor.u32 s2, s0  }
0x100: {  	s0 =	sadd.s32 $0x8F2B, s0  }
0x101: {  	[sflag:s0] =	ssyncadd.remote.s32 $0x1  }
0x102: {  	_ =	sfence.sel $0xFFFF  }
0x103: {  	[dreg:$0x0] =	wrdreg $0xFFFFFFFF;
	(pc) =	sbr.abs _section_cstart, $3  }
0x104: {  	[dreg:$0x1] =	wrdreg $0xFFFFFFFF  }
0x105: {  	_ =	task.clear_ibuf [dreg:s1], $0x2FFFF;
	_ =	strace $0x9FFFFFFF  }
0x106: {  	(tm) =	ssettm $0x7FFFFFFF  }
0x107: {  	_ =	shalt  }
tec
execute0_lowered:
.L_overlay_start_1:
0x0: {  	(tag) =	ssettag $0x1  }
0x1: {  	s1 =	srdreg.scid;
	s0 =	stileid.u32  }
0x2: {  	s31 =	sand.u32 $0x1, s1;
	s25 =	sshll.u32 s0, $0x1  }
0x3: {  	s3 =	sor.u32 s31, s25  }
0x4: {  	s26 =	rddreg [dreg:$0x0];
	s2 =	simm.s32 $0x0;
	s4 =	smul.u32 $0x24000, s3  }
0x5: {  	[smem:$0x7FF] =	sst s2;
	s10 =	smul.u32 $0x4800, s3  }
0x6: {  	s30 =	rddreg [dreg:$0x1];
	_ =	strace $0x80000047;
	s28 =	sshrl.u32 s4, $0x3  }
0x7: {  	s3 =	sadd.s32 s26, s10;
	s4 =	simm.s32 $0x10000;
	s14 =	sadd.s32 $0x800, s28  }
0x8: {  	[tilespmem:s4], [sflag:$0x1] =	stream.linear.gather [hbm4b:s3+s2], $0x4000, $0x38;
	[tilespmem:$0x1C000] =	vst v63  }
0x9: {  	s6 =	simm.s32 $0x14000;
	s18 =	sadd.s32 $0x1000, s28;
	s5 =	sadd.s32 s26, s14  }
0xa: {  	[tilespmem:s6], [sflag:$0x2] =	stream.linear.gather [hbm4b:s5+s2], $0x4000, $0x38;
	[tilespmem:$0x1C000] =	vst v63  }
0xb: {  	s8 =	simm.s32 $0x18000;
	s9 =	simm.s32 $0x1;
	s7 =	sadd.s32 s26, s18  }
0xc: {  	[tilespmem:s8], [sflag:$0x3] =	stream.linear.gather [hbm4b:s7+s2], $0x4000, $0x38;
	[tilespmem:$0x1C000] =	vst v63  }
0xd: {  	_ =	swait.ge [sflag:s9], $0x4000  }
0xe: {  	[sflag:s9] =	ssyncset.done $0x0  }
0xf: {  	s11 =	simm.s32 $0x4;
	s10 =	sadd.s32 s30, s10;
	[sflag:s9] =	ssyncadd.s32 $0xFFFFC000  }
0x10: {  	[hbm4b:s10+s2] =	stream.linear.scatter [tilespmem:s4], [sflag:$0x4], $0x4000, $0x38;
	[tilespmem:$0x1C000] =	vst v63  }
0x11: {  	_ =	swait.ge [sflag:s11], $0x4000  }
0x12: {  	s21 =	sadd.s32 $0x1800, s28;
	[sflag:s11] =	ssyncset.done $0x0  }
0x13: {  	s13 =	simm.s32 $0x2;
	s12 =	sadd.s32 s26, s21;
	[sflag:s11] =	ssyncadd.s32 $0xFFFFC000  }
0x14: {  	[tilespmem:s4], [sflag:$0x1] =	stream.linear.gather [hbm4b:s12+s2], $0x4000, $0x38;
	[tilespmem:$0x1C000] =	vst v63  }
0x15: {  	_ =	swait.ge [sflag:s13], $0x4000  }
0x16: {  	[sflag:s13] =	ssyncset.done $0x0  }
0x17: {  	s15 =	simm.s32 $0x5;
	s14 =	sadd.s32 s30, s14;
	[sflag:s13] =	ssyncadd.s32 $0xFFFFC000  }
0x18: {  	[hbm4b:s14+s2] =	stream.linear.scatter [tilespmem:s6], [sflag:$0x5], $0x4000, $0x38;
	[tilespmem:$0x1C000] =	vst v63  }
0x19: {  	_ =	swait.ge [sflag:s15], $0x4000  }
0x1a: {  	s23 =	sadd.s32 $0x2000, s28;
	[sflag:s15] =	ssyncset.done $0x0  }
0x1b: {  	s17 =	simm.s32 $0x3;
	s16 =	sadd.s32 s26, s23;
	[sflag:s15] =	ssyncadd.s32 $0xFFFFC000  }
0x1c: {  	[tilespmem:s6], [sflag:$0x2] =	stream.linear.gather [hbm4b:s16+s2], $0x4000, $0x38;
	[tilespmem:$0x1C000] =	vst v63  }
0x1d: {  	_ =	swait.ge [sflag:s17], $0x4000  }
0x1e: {  	[sflag:s17] =	ssyncset.done $0x0  }
0x1f: {  	s19 =	sadd.s32 s30, s18;
	s18 =	simm.s32 $0x6;
	[sflag:s17] =	ssyncadd.s32 $0xFFFFC000  }
0x20: {  	[hbm4b:s19+s2] =	stream.linear.scatter [tilespmem:s8], [sflag:$0x6], $0x4000, $0x38;
	[tilespmem:$0x1C000] =	vst v63  }
0x21: {  	_ =	swait.ge [sflag:s18], $0x4000  }
0x22: {  	s25 =	sadd.s32 $0x2800, s28;
	[sflag:s18] =	ssyncset.done $0x0  }
0x23: {  	s20 =	sadd.s32 s26, s25;
	[sflag:s18] =	ssyncadd.s32 $0xFFFFC000  }
0x24: {  	[tilespmem:s8], [sflag:$0x3] =	stream.linear.gather [hbm4b:s20+s2], $0x4000, $0x38;
	[tilespmem:$0x1C000] =	vst v63  }
0x25: {  	_ =	swait.ge [sflag:s9], $0x4000  }
0x26: {  	[sflag:s9] =	ssyncset.done $0x0  }
0x27: {  	s21 =	sadd.s32 s30, s21;
	[sflag:s9] =	ssyncadd.s32 $0xFFFFC000  }
0x28: {  	[hbm4b:s21+s2] =	stream.linear.scatter [tilespmem:s4], [sflag:$0x4], $0x4000, $0x38;
	[tilespmem:$0x1C000] =	vst v63  }
0x29: {  	_ =	swait.ge [sflag:s11], $0x4000  }
0x2a: {  	s29 =	sadd.s32 $0x3000, s28;
	[sflag:s11] =	ssyncset.done $0x0  }
0x2b: {  	s22 =	sadd.s32 s26, s29;
	[sflag:s11] =	ssyncadd.s32 $0xFFFFC000  }
0x2c: {  	[tilespmem:s4], [sflag:$0x1] =	stream.linear.gather [hbm4b:s22+s2], $0x4000, $0x38;
	[tilespmem:$0x1C000] =	vst v63  }
0x2d: {  	_ =	swait.ge [sflag:s13], $0x4000  }
0x2e: {  	[sflag:s13] =	ssyncset.done $0x0  }
0x2f: {  	s23 =	sadd.s32 s30, s23;
	[sflag:s13] =	ssyncadd.s32 $0xFFFFC000  }
0x30: {  	[hbm4b:s23+s2] =	stream.linear.scatter [tilespmem:s6], [sflag:$0x5], $0x4000, $0x38;
	[tilespmem:$0x1C000] =	vst v63  }
0x31: {  	_ =	swait.ge [sflag:s15], $0x4000  }
0x32: {  	s1 =	sadd.s32 $0x3800, s28;
	[sflag:s15] =	ssyncset.done $0x0  }
0x33: {  	s24 =	sadd.s32 s26, s1;
	[sflag:s15] =	ssyncadd.s32 $0xFFFFC000  }
0x34: {  	[tilespmem:s6], [sflag:$0x2] =	stream.linear.gather [hbm4b:s24+s2], $0x4000, $0x38;
	[tilespmem:$0x1C000] =	vst v63  }
0x35: {  	_ =	swait.ge [sflag:s17], $0x4000  }
0x36: {  	[sflag:s17] =	ssyncset.done $0x0  }
0x37: {  	s25 =	sadd.s32 s30, s25;
	[sflag:s17] =	ssyncadd.s32 $0xFFFFC000  }
0x38: {  	[hbm4b:s25+s2] =	stream.linear.scatter [tilespmem:s8], [sflag:$0x6], $0x4000, $0x38;
	[tilespmem:$0x1C000] =	vst v63  }
0x39: {  	_ =	swait.ge [sflag:s18], $0x4000  }
0x3a: {  	s0 =	sadd.s32 $0x4000, s28;
	[sflag:s18] =	ssyncset.done $0x0  }
0x3b: {  	s26 =	sadd.s32 s26, s0;
	[sflag:s18] =	ssyncadd.s32 $0xFFFFC000  }
0x3c: {  	[tilespmem:s8], [sflag:$0x3] =	stream.linear.gather [hbm4b:s26+s2], $0x4000, $0x38;
	[tilespmem:$0x1C000] =	vst v63  }
0x3d: {  	_ =	swait.ge [sflag:s9], $0x4000  }
0x3e: {  	[sflag:s9] =	ssyncset.done $0x0  }
0x3f: {  	s28 =	sadd.s32 s30, s29;
	[sflag:s9] =	ssyncadd.s32 $0xFFFFC000  }
0x40: {  	[hbm4b:s28+s2] =	stream.linear.scatter [tilespmem:s4], [sflag:$0x4], $0x4000, $0x38;
	[tilespmem:$0x1C000] =	vst v63  }
0x41: {  	_ =	swait.ge [sflag:s13], $0x4000  }
0x42: {  	[sflag:s13] =	ssyncset.done $0x0  }
0x43: {  	s29 =	sadd.s32 s30, s1;
	[sflag:s13] =	ssyncadd.s32 $0xFFFFC000  }
0x44: {  	[hbm4b:s29+s2] =	stream.linear.scatter [tilespmem:s6], [sflag:$0x5], $0x4000, $0x38;
	[tilespmem:$0x1C000] =	vst v63  }
0x45: {  	_ =	swait.ge [sflag:s17], $0x4000  }
0x46: {  	s30 =	sadd.s32 s30, s0;
	s0 =	ssub.s32 $0x2, s31;
	[sflag:s17] =	ssyncset.done $0x0  }
0x47: {  	s1 =	sshrl.u32 s0, $0x1;
	[sflag:s17] =	ssyncadd.s32 $0xFFFFC000  }
0x48: {  	[hbm4b:s30+s2] =	stream.linear.scatter [tilespmem:s8], [sflag:$0x6], $0x4000, $0x38;
	[tilespmem:$0x1C000] =	vst v63  }
0x49: {  	s0 =	ssub.s32 s0, s1;
	_ =	swait.ge [sflag:s11], $0x4000  }
0x4a: {  	s0 =	smax.u32 s0, $0x1;
	[sflag:s11] =	ssyncset.done $0x0  }
0x4b: {  	p0 =	sne.s32 s0, $0x1;
	[sflag:s11] =	ssyncadd.s32 $0xFFFFC000  }
.Ltmp0:
0x4c: {  	_ =	swait.ge [sflag:s15], $0x4000;
	(pc) =	sbr.rel @!p0 .LBB2_2-.Ltmp0, $4  }
0x4d: {  	[sflag:s15] =	ssyncset.done $0x0  }
0x4e: {  	[sflag:s15] =	ssyncadd.s32 $0xFFFFC000  }
0x4f: {  	_ =	swait.ge [sflag:s18], $0x4000  }
0x50: {  	s31 =	sadd.s32 $0xFFFFFFFF, s0;
	[sflag:s18] =	ssyncset.done $0x0  }
.LBB2_1:
0x51: {  	p0 =	sne.s32 s31, $0x1;
	s31 =	sadd.s32 $0xFFFFFFFF, s31;
	[sflag:s18] =	ssyncadd.s32 $0xFFFFC000  }
0x52: {  	[tilespmem:s4], [sflag:$0x1] =	stream.linear.gather [hbm4b:s3+s2], $0x4000, $0x38;
	[tilespmem:$0x1C000] =	vst v63  }
0x53: {  	_ = 	snop  }
0x54: {  	[tilespmem:s6], [sflag:$0x2] =	stream.linear.gather [hbm4b:s5+s2], $0x4000, $0x38;
	[tilespmem:$0x1C000] =	vst v63  }
0x55: {  	_ = 	snop  }
0x56: {  	[tilespmem:s8], [sflag:$0x3] =	stream.linear.gather [hbm4b:s7+s2], $0x4000, $0x38;
	[tilespmem:$0x1C000] =	vst v63  }
0x57: {  	_ =	swait.ge [sflag:s9], $0x4000  }
0x58: {  	[sflag:s9] =	ssyncset.done $0x0  }
0x59: {  	[sflag:s9] =	ssyncadd.s32 $0xFFFFC000  }
0x5a: {  	[hbm4b:s10+s2] =	stream.linear.scatter [tilespmem:s4], [sflag:$0x4], $0x4000, $0x38;
	[tilespmem:$0x1C000] =	vst v63  }
0x5b: {  	_ =	swait.ge [sflag:s11], $0x4000  }
0x5c: {  	[sflag:s11] =	ssyncset.done $0x0  }
0x5d: {  	[sflag:s11] =	ssyncadd.s32 $0xFFFFC000  }
0x5e: {  	[tilespmem:s4], [sflag:$0x1] =	stream.linear.gather [hbm4b:s12+s2], $0x4000, $0x38;
	[tilespmem:$0x1C000] =	vst v63  }
0x5f: {  	_ =	swait.ge [sflag:s13], $0x4000  }
0x60: {  	[sflag:s13] =	ssyncset.done $0x0  }
0x61: {  	[sflag:s13] =	ssyncadd.s32 $0xFFFFC000  }
0x62: {  	[hbm4b:s14+s2] =	stream.linear.scatter [tilespmem:s6], [sflag:$0x5], $0x4000, $0x38;
	[tilespmem:$0x1C000] =	vst v63  }
0x63: {  	_ =	swait.ge [sflag:s15], $0x4000  }
0x64: {  	[sflag:s15] =	ssyncset.done $0x0  }
0x65: {  	[sflag:s15] =	ssyncadd.s32 $0xFFFFC000  }
0x66: {  	[tilespmem:s6], [sflag:$0x2] =	stream.linear.gather [hbm4b:s16+s2], $0x4000, $0x38;
	[tilespmem:$0x1C000] =	vst v63  }
0x67: {  	_ =	swait.ge [sflag:s17], $0x4000  }
0x68: {  	[sflag:s17] =	ssyncset.done $0x0  }
0x69: {  	[sflag:s17] =	ssyncadd.s32 $0xFFFFC000  }
0x6a: {  	[hbm4b:s19+s2] =	stream.linear.scatter [tilespmem:s8], [sflag:$0x6], $0x4000, $0x38;
	[tilespmem:$0x1C000] =	vst v63  }
0x6b: {  	_ =	swait.ge [sflag:s18], $0x4000  }
0x6c: {  	[sflag:s18] =	ssyncset.done $0x0  }
0x6d: {  	[sflag:s18] =	ssyncadd.s32 $0xFFFFC000  }
0x6e: {  	[tilespmem:s8], [sflag:$0x3] =	stream.linear.gather [hbm4b:s20+s2], $0x4000, $0x38;
	[tilespmem:$0x1C000] =	vst v63  }
0x6f: {  	_ =	swait.ge [sflag:s9], $0x4000  }
0x70: {  	[sflag:s9] =	ssyncset.done $0x0  }
0x71: {  	[sflag:s9] =	ssyncadd.s32 $0xFFFFC000  }
0x72: {  	[hbm4b:s21+s2] =	stream.linear.scatter [tilespmem:s4], [sflag:$0x4], $0x4000, $0x38;
	[tilespmem:$0x1C000] =	vst v63  }
0x73: {  	_ =	swait.ge [sflag:s11], $0x4000  }
0x74: {  	[sflag:s11] =	ssyncset.done $0x0  }
0x75: {  	[sflag:s11] =	ssyncadd.s32 $0xFFFFC000  }
0x76: {  	[tilespmem:s4], [sflag:$0x1] =	stream.linear.gather [hbm4b:s22+s2], $0x4000, $0x38;
	[tilespmem:$0x1C000] =	vst v63  }
0x77: {  	_ =	swait.ge [sflag:s13], $0x4000  }
0x78: {  	[sflag:s13] =	ssyncset.done $0x0  }
0x79: {  	[sflag:s13] =	ssyncadd.s32 $0xFFFFC000  }
0x7a: {  	[hbm4b:s23+s2] =	stream.linear.scatter [tilespmem:s6], [sflag:$0x5], $0x4000, $0x38;
	[tilespmem:$0x1C000] =	vst v63  }
0x7b: {  	_ =	swait.ge [sflag:s15], $0x4000  }
0x7c: {  	[sflag:s15] =	ssyncset.done $0x0  }
0x7d: {  	[sflag:s15] =	ssyncadd.s32 $0xFFFFC000  }
0x7e: {  	[tilespmem:s6], [sflag:$0x2] =	stream.linear.gather [hbm4b:s24+s2], $0x4000, $0x38;
	[tilespmem:$0x1C000] =	vst v63  }
0x7f: {  	_ =	swait.ge [sflag:s17], $0x4000  }
0x80: {  	[sflag:s17] =	ssyncset.done $0x0  }
0x81: {  	[sflag:s17] =	ssyncadd.s32 $0xFFFFC000  }
0x82: {  	[hbm4b:s25+s2] =	stream.linear.scatter [tilespmem:s8], [sflag:$0x6], $0x4000, $0x38;
	[tilespmem:$0x1C000] =	vst v63  }
0x83: {  	_ =	swait.ge [sflag:s18], $0x4000  }
0x84: {  	[sflag:s18] =	ssyncset.done $0x0  }
0x85: {  	[sflag:s18] =	ssyncadd.s32 $0xFFFFC000  }
0x86: {  	[tilespmem:s8], [sflag:$0x3] =	stream.linear.gather [hbm4b:s26+s2], $0x4000, $0x38;
	[tilespmem:$0x1C000] =	vst v63  }
0x87: {  	_ =	swait.ge [sflag:s9], $0x4000  }
0x88: {  	[sflag:s9] =	ssyncset.done $0x0  }
0x89: {  	[sflag:s9] =	ssyncadd.s32 $0xFFFFC000  }
0x8a: {  	[hbm4b:s28+s2] =	stream.linear.scatter [tilespmem:s4], [sflag:$0x4], $0x4000, $0x38;
	[tilespmem:$0x1C000] =	vst v63  }
0x8b: {  	_ =	swait.ge [sflag:s13], $0x4000  }
0x8c: {  	[sflag:s13] =	ssyncset.done $0x0  }
0x8d: {  	[sflag:s13] =	ssyncadd.s32 $0xFFFFC000  }
0x8e: {  	[hbm4b:s29+s2] =	stream.linear.scatter [tilespmem:s6], [sflag:$0x5], $0x4000, $0x38;
	[tilespmem:$0x1C000] =	vst v63  }
0x8f: {  	_ =	swait.ge [sflag:s17], $0x4000  }
0x90: {  	[sflag:s17] =	ssyncset.done $0x0  }
0x91: {  	[sflag:s17] =	ssyncadd.s32 $0xFFFFC000  }
0x92: {  	[hbm4b:s30+s2] =	stream.linear.scatter [tilespmem:s8], [sflag:$0x6], $0x4000, $0x38;
	[tilespmem:$0x1C000] =	vst v63  }
0x93: {  	_ =	swait.ge [sflag:s11], $0x4000  }
0x94: {  	[sflag:s11] =	ssyncset.done $0x0  }
0x95: {  	[sflag:s11] =	ssyncadd.s32 $0xFFFFC000  }
.Ltmp1:
0x96: {  	_ =	swait.ge [sflag:s15], $0x4000;
	(pc) =	sbr.rel @p0 .LBB2_1-.Ltmp1, $4  }
0x97: {  	[sflag:s15] =	ssyncset.done $0x0  }
0x98: {  	[sflag:s15] =	ssyncadd.s32 $0xFFFFC000  }
0x99: {  	_ =	swait.ge [sflag:s18], $0x4000  }
0x9a: {  	[sflag:s18] =	ssyncset.done $0x0  }
.LBB2_2:
0x9b: {  	[sflag:s18] =	ssyncadd.s32 $0xFFFFC000  }
0x9c: {  	_ =	sfence.sel $0x180000  }
0x9d: {  	[bflag:$0x0] =	sbarrier.arrive $0xFFFF  }
0x9e: {  	_ =	strace $0x90000047  }
0x9f: {  	s0 =	stileid.u32;
	[bflag:$0x2] =	sbarrier.arrive $0xFFFF  }
0xa0: {  	p0 =	sne.s32 s0, $0x0;
	s0 =	rddreg [dreg:$0x2]  }
0xa1: {  	s0 =	sadd.s32 @!p0 $0x100000, s0  }
0xa2: {  	[sflag:s0] =	ssyncadd.tile.s32 @!p0 $0x1;
	_ =	shalt  }
.Lfunc_end2:
_tile_overlayer_lowered:
.L_overlay_start_2:
0xa3: {  	(tag) =	ssettag $0x2  }
0xa4: {  	s0 =	rddreg [dreg:$0x0];
	s2 =	stileid.u32  }
0xa5: {  	s1 =	rddreg [dreg:$0x1];
	p0 =	sne.s32 s2, $0x0  }
0xa6: {  	s3 =	rddreg [dreg:$0x2];
	[bflag:$0x3] =	sbarrier.arrive $0xFFFF;
	s2 =	simm.s32 @!p0 $0x1C01  }
0xa7: {  	[timem:s3], [sflag:s2] =	dma.local @!p0 [hbm:s0], s1  }
0xa8: {  	s0 =	simm.s32 @!p0 $0x1  }
0xa9: {  	_ =	swait.ge @!p0 [sflag:s0], s1  }
0xaa: {  	s1 =	ssub.s32 @!p0 $0x0, s1;
	[sflag:s0] =	ssyncset.done @!p0 $0x0  }
0xab: {  	[sflag:s0] =	ssyncadd.s32 @!p0 s1  }
0xac: {  	[bflag:$0x3] =	sbarrier.arrive $0xFFFF  }
0xad: {  	_ =	shalt  }

</sc_bundles>
